<compile_context>
chip_gen: v7x
topology: tpu7x:2x2x1
jax: 0.10.2.dev20260603
libtpu: 0.0.44.dev20260713+nightly
codegen_flags: <defaults>
</compile_context>

<pallas_src>
import functools

import jax
import jax.numpy as jnp
from jax import lax
from jax.experimental import pallas as pl
from jax.experimental.pallas import tpu as pltpu
from jax.experimental.pallas import tpu_sc as plsc

_GROUPS = 10
_B = 16384
_D = 256
_K = 1024
_CC = (0.5, 0.5, 0.4, 0.4, 0.4, 0.4, 0.8, 0.8, 0.8, 0.8)


_BB = 512
_NB = _B // _BB


def _vq_tc_body(n, *refs):
    i = pl.program_id(0)
    x_refs, w_refs = refs[:n], refs[n:2 * n]
    idx_refs, loss_refs = refs[2 * n:3 * n], refs[3 * n:4 * n]

    @pl.when(i == 0)
    def _():
        for loss_ref in loss_refs:
            loss_ref[0, 0] = 0.0

    for x_ref, w_ref, idx_ref, loss_ref in zip(
            x_refs, w_refs, idx_refs, loss_refs):
        x = x_ref[...]
        w = w_ref[...]
        xw = lax.dot_general(x, w, (((1,), (1,)), ((), ())),
                             preferred_element_type=jnp.float32)
        xsq = jnp.sum(x * x, axis=1, keepdims=True)
        wsq = jnp.sum(w * w, axis=1)
        dist = xsq + wsq[None, :] - 2.0 * xw
        dmin = jnp.min(dist, axis=1, keepdims=True)
        iota = lax.broadcasted_iota(jnp.int32, dist.shape, 1).astype(jnp.float32)
        idxf = jnp.min(jnp.where(dist == dmin, iota, float(_K)), axis=1)
        idx_ref[...] = idxf.astype(jnp.int32)
        loss_ref[0, 0] += jnp.sum(dmin)


def _vq_tcn(xs, ws):
    n = len(xs)
    xspec = pl.BlockSpec((_BB, _D), lambda i: (i, 0))
    wspec = pl.BlockSpec((_K, _D), lambda i: (0, 0))
    ispec = pl.BlockSpec((_BB,), lambda i: (i,))
    lspec = pl.BlockSpec((1, 1), lambda i: (0, 0), memory_space=pltpu.SMEM)
    return pl.pallas_call(
        functools.partial(_vq_tc_body, n),
        grid=(_NB,),
        in_specs=[xspec] * n + [wspec] * n,
        out_specs=[ispec] * n + [lspec] * n,
        out_shape=[jax.ShapeDtypeStruct((_B,), jnp.int32)] * n
                  + [jax.ShapeDtypeStruct((1, 1), jnp.float32)] * n,
    )(*xs, *ws)



_NC = 2
_NS = 16
_NW = _NC * _NS
_ROWS = _GROUPS * _B
_RPW = _ROWS // _NW
_CH = 128
_NCH = _RPW // _CH


def _sc_gather_body(idx_hbm, table_hbm, out_hbm,
                    idx0, idx1, rows0, rows1, gsem, wsem0, wsem1):
    wid = lax.axis_index("s") * _NC + lax.axis_index("c")
    base = wid * _RPW
    idx_bufs = (idx0, idx1)
    row_bufs = (rows0, rows1)
    wsems = (wsem0, wsem1)

    def outer(o, _):
        for b in range(2):
            j = o * 2 + b
            start = base + j * _CH
            pltpu.sync_copy(idx_hbm.at[pl.ds(start, _CH)], idx_bufs[b])
            off = (start // _B) * _K
            for s in range(_CH // 16):
                sl = pl.ds(s * 16, 16)
                idx_bufs[b][sl] = idx_bufs[b][sl] + off

            @pl.when(j >= 2)
            def _():
                pltpu.make_async_copy(
                    row_bufs[b], out_hbm.at[pl.ds(start - 2 * _CH, _CH)],
                    wsems[b]).wait()

            pltpu.async_copy(table_hbm.at[idx_bufs[b]], row_bufs[b],
                             gsem).wait()
            pltpu.async_copy(row_bufs[b], out_hbm.at[pl.ds(start, _CH)],
                             wsems[b])
        return _

    lax.fori_loop(0, _NCH // 2, outer, None)
    for b in range(2):
        j = _NCH - 2 + b
        pltpu.make_async_copy(
            row_bufs[b], out_hbm.at[pl.ds(base + j * _CH, _CH)],
            wsems[b]).wait()


def _sc_gather():
    return pl.kernel(
        _sc_gather_body,
        mesh=plsc.VectorSubcoreMesh(core_axis_name="c", subcore_axis_name="s"),
        out_type=jax.ShapeDtypeStruct((_ROWS, _D), jnp.float32),
        scratch_types=[
            pltpu.VMEM((_CH,), jnp.int32),
            pltpu.VMEM((_CH,), jnp.int32),
            pltpu.VMEM((_CH, _D), jnp.float32),
            pltpu.VMEM((_CH, _D), jnp.float32),
            pltpu.SemaphoreType.DMA,
            pltpu.SemaphoreType.DMA,
            pltpu.SemaphoreType.DMA,
        ],
    )



def kernel(head_neck, spine, left_arm, left_forearm, right_arm, right_forearm,
           left_leg, left_foot, right_leg, right_foot,
           W_head_neck, W_spine, W_left_arm, W_left_forearm, W_right_arm,
           W_right_forearm, W_left_leg, W_left_foot, W_right_leg, W_right_foot):
    xs = (head_neck, spine, left_arm, left_forearm, right_arm, right_forearm,
          left_leg, left_foot, right_leg, right_foot)
    ws = (W_head_neck, W_spine, W_left_arm, W_left_forearm, W_right_arm,
          W_right_forearm, W_left_leg, W_left_foot, W_right_leg, W_right_foot)

    idx_list = []
    total_loss = jnp.asarray(0.0, dtype=jnp.float32)
    _NG = 5
    for g0 in range(0, _GROUPS, _NG):
        outs = _vq_tcn(xs[g0:g0 + _NG], ws[g0:g0 + _NG])
        idx_list.extend(outs[:_NG])
        for k, lpart in enumerate(outs[_NG:]):
            total_loss = total_loss + (
                (1.0 + _CC[g0 + k]) * lpart[0, 0] / (_B * _D))

    indices = jnp.stack(idx_list, axis=0)
    table = jnp.concatenate(ws, axis=0)
    quant_flat = _sc_gather()(indices.reshape(-1), table)
    quantized = quant_flat.reshape(_GROUPS, _B, _D)
    return quantized, total_loss, indices

# --- scband reference (transcript-rebuilt; emitter-appended) ---
"""Pipeline reference for scband-independent-semantic-codebooks-1125281431599 (READ-ONLY COPY).

The authoritative reference and input builder live on the scoring server;
editing this copy changes nothing except your own understanding.
"""

import jax, jax.numpy as jnp
import numpy as np

GROUPS = ['head_neck', 'spine', 'left_arm', 'left_forearm', 'right_arm', 'right_forearm', 'left_leg', 'left_foot', 'right_leg', 'right_foot']
CC = {'head_neck': 0.5, 'spine': 0.5, 'left_arm': 0.4, 'left_forearm': 0.4, 'right_arm': 0.4, 'right_forearm': 0.4, 'left_leg': 0.8, 'left_foot': 0.8, 'right_leg': 0.8, 'right_foot': 0.8}
B = 16384
D = 256
K = 1024


def setup_inputs(seed: int = 0) -> dict:
    key = jax.random.key(seed)
    inp = {}
    for i, g in enumerate(GROUPS):
        inp[g] = jax.random.normal(jax.random.fold_in(key, i), (B, D), dtype=jnp.float32)
        # num_embeddings = 1024 >= 100 -> init_scale = 0.1
        inp['W_' + g] = jax.random.uniform(jax.random.fold_in(key, 100 + i), (K, D), minval=-0.1, maxval=0.1, dtype=jnp.float32)
    return inp


def _vq(x, W, commitment_cost):
    # distances: (B, K)
    distances = jnp.sum(x ** 2, axis=1, keepdims=True) + jnp.sum(W ** 2, axis=1) - 2.0 * jnp.matmul(x, W.T)
    encoding_indices = jnp.argmin(distances, axis=1)
    # one-hot @ W == gather; same math and same gradients w.r.t. W
    quantized = jnp.take(W, encoding_indices, axis=0)
    e_latent_loss = jnp.mean((jax.lax.stop_gradient(quantized) - x) ** 2)
    q_latent_loss = jnp.mean((quantized - jax.lax.stop_gradient(x)) ** 2)
    loss = q_latent_loss + commitment_cost * e_latent_loss
    quantized_st = x + jax.lax.stop_gradient(quantized - x)
    return quantized_st, loss, encoding_indices


def reference(head_neck, spine, left_arm, left_forearm, right_arm, right_forearm,
              left_leg, left_foot, right_leg, right_foot,
              W_head_neck, W_spine, W_left_arm, W_left_forearm, W_right_arm,
              W_right_forearm, W_left_leg, W_left_foot, W_right_leg, W_right_foot):
    inputs = {
        'head_neck': head_neck, 'spine': spine, 'left_arm': left_arm,
        'left_forearm': left_forearm, 'right_arm': right_arm,
        'right_forearm': right_forearm, 'left_leg': left_leg,
        'left_foot': left_foot, 'right_leg': right_leg, 'right_foot': right_foot,
        'W_head_neck': W_head_neck, 'W_spine': W_spine, 'W_left_arm': W_left_arm,
        'W_left_forearm': W_left_forearm, 'W_right_arm': W_right_arm,
        'W_right_forearm': W_right_forearm, 'W_left_leg': W_left_leg,
        'W_left_foot': W_left_foot, 'W_right_leg': W_right_leg, 'W_right_foot': W_right_foot,
    }
    quantized_all = []
    indices_all = []
    total_loss = jnp.asarray(0.0, dtype=jnp.float32)
    for g in GROUPS:
        q, l, idx = _vq(inputs[g], inputs['W_' + g], CC[g])
        quantized_all.append(q)
        indices_all.append(idx)
        total_loss = total_loss + l
    return jnp.stack(quantized_all, axis=0), total_loss, jnp.stack(indices_all, axis=0)

if __name__ == "__main__":
    import jax
    _d = setup_inputs()
    print(jax.jit(kernel)(*tuple(_d.values())))

</pallas_src>

<mosaic_0001>
#map = affine_map<(d0, d1) -> (0)>
#map1 = affine_map<(d0, d1) -> (0, 0)>
module attributes {stable_mosaic.version = 14 : i64} {
  func.func @_sc_gather_body(%arg0: i32, %arg1: i32, %arg2: memref<163840xi32, #tpu.memory_space<hbm>>, %arg3: memref<87040x256xf32, #tpu.memory_space<hbm>>, %arg4: memref<163840x256xf32, #tpu.memory_space<hbm>>, %arg5: memref<128xi32, #tpu.memory_space<vmem>>, %arg6: memref<128xi32, #tpu.memory_space<vmem>>, %arg7: memref<128x256xf32, #tpu.memory_space<vmem>>, %arg8: memref<128x256xf32, #tpu.memory_space<vmem>>, %arg9: memref<!tpu.dma_semaphore, #tpu.memory_space<semaphore_mem>>, %arg10: memref<!tpu.dma_semaphore, #tpu.memory_space<semaphore_mem>>, %arg11: memref<!tpu.dma_semaphore, #tpu.memory_space<semaphore_mem>>) attributes {dimension_semantics = [#tpu.dimension_semantics<core_parallel>, #tpu.dimension_semantics<subcore_parallel>], iteration_bounds = array<i64: 2, 16>, scalar_prefetch = 0 : i64, scratch_operands = 7 : i64, tpu.core_type = #tpu.core_type<sc_vector_subcore>, window_params = [{transform_indices = #map}, {transform_indices = #map1}, {transform_indices = #map1}]} {
    %mul3A = arith.constant 2 : i32
    %mul3A_0 = arith.muli %arg1, %mul3A : i32
    %add3A = arith.addi %mul3A_0, %arg0 : i32
    %mul3A_1 = arith.constant 5120 : i32
    %mul3A_2 = arith.muli %add3A, %mul3A_1 : i32
    %scan3A = arith.constant 0 : i32
    %scan3A_3 = arith.constant 20 : i32
    %scan3A_4 = arith.addi %scan3A, %scan3A_3 : i32
    %scan3A_5 = arith.constant 1 : i32
    scf.for %scan3A_18 = %scan3A to %scan3A_4 step %scan3A_5  : i32 {
      %mul3A_19 = arith.constant 2 : i32
      %mul3A_20 = arith.muli %scan3A_18, %mul3A_19 : i32
      %add3A_21 = arith.constant 0 : i32
      %add3A_22 = arith.addi %mul3A_20, %add3A_21 : i32
      %mul3A_23 = arith.constant 128 : i32
      %mul3A_24 = arith.muli %add3A_22, %mul3A_23 : i32
      %add3A_25 = arith.addi %mul3A_2, %mul3A_24 : i32
      "tpu.region"() ({
        %run_scoped3A = tpu.sem_alloc : memref<!tpu.dma_semaphore, #tpu.memory_space<semaphore_mem>>
        %dma_start3A_245 = tpu.memref_slice %arg2[%add3A_25] : memref<163840xi32, #tpu.memory_space<hbm>> -> memref<128xi32, #tpu.memory_space<hbm>>
        %dma_start3A_246 = tpu.memref_slice %arg2[%add3A_25] : memref<163840xi32, #tpu.memory_space<hbm>> -> memref<128xi32, #tpu.memory_space<hbm>>
        tpu.enqueue_dma source(%dma_start3A_246 : memref<128xi32, #tpu.memory_space<hbm>>) target(%arg5 : memref<128xi32, #tpu.memory_space<vmem>>) target_semaphore(%run_scoped3A : memref<!tpu.dma_semaphore, #tpu.memory_space<semaphore_mem>>)
        %dma_wait3A_247 = tpu.memref_slice %arg2[%add3A_25] : memref<163840xi32, #tpu.memory_space<hbm>> -> memref<128xi32, #tpu.memory_space<hbm>>
        %dma_wait3A_248 = tpu.memref_slice %arg2[%add3A_25] : memref<163840xi32, #tpu.memory_space<hbm>> -> memref<128xi32, #tpu.memory_space<hbm>>
        tpu.wait_dma2 semaphore(%run_scoped3A : memref<!tpu.dma_semaphore, #tpu.memory_space<semaphore_mem>>) src(%dma_wait3A_248 : memref<128xi32, #tpu.memory_space<hbm>>) dst(%arg5 : memref<128xi32, #tpu.memory_space<vmem>>)
        tpu.yield
      }) : () -> ()
      %jit3A = arith.constant 16384 : i32
      %div3A = arith.divsi %add3A_25, %jit3A : i32
      %sign3A = arith.constant 0 : i32
      %sign3A_26 = arith.cmpi sgt, %add3A_25, %sign3A : i32
      %sign3A_27 = arith.extui %sign3A_26 : i1 to i32
      %sign3A_28 = arith.constant 0 : i32
      %sign3A_29 = arith.cmpi slt, %add3A_25, %sign3A_28 : i32
      %sign3A_30 = arith.extui %sign3A_29 : i1 to i32
      %sign3A_31 = arith.subi %sign3A_27, %sign3A_30 : i32
      %sign3A_32 = arith.constant 0 : i32
      %sign3A_33 = arith.cmpi sgt, %jit3A, %sign3A_32 : i32
      %sign3A_34 = arith.extui %sign3A_33 : i1 to i32
      %sign3A_35 = arith.constant 0 : i32
      %sign3A_36 = arith.cmpi slt, %jit3A, %sign3A_35 : i32
      %sign3A_37 = arith.extui %sign3A_36 : i1 to i32
      %sign3A_38 = arith.subi %sign3A_34, %sign3A_37 : i32
      %ne3A = arith.cmpi ne, %sign3A_31, %sign3A_38 : i32
      %rem3A = arith.remsi %add3A_25, %jit3A : i32
      %ne3A_39 = arith.constant 0 : i32
      %ne3A_40 = arith.cmpi ne, %rem3A, %ne3A_39 : i32
      %and3A = arith.andi %ne3A, %ne3A_40 : i1
      %sub3A = arith.constant 1 : i32
      %sub3A_41 = arith.subi %div3A, %sub3A : i32
      %select_n3A = arith.select %and3A, %sub3A_41, %div3A : i32
      %mul3A_42 = arith.constant 1024 : i32
      %mul3A_43 = arith.muli %select_n3A, %mul3A_42 : i32
      %get3A = arith.constant 0 : index
      %get3A_44 = tpu.vector_load %arg5[%get3A] {strides = array<i32>} : memref<128xi32, #tpu.memory_space<vmem>>, vector<16xi32>,
      %get3A_45 = vector.shape_cast %get3A_44 : vector<16xi32> to vector<16xi32>
      %add3A_46 = vector.broadcast %mul3A_43 : i32 to vector<16xi32>
      %add3A_47 = arith.addi %get3A_45, %add3A_46 : vector<16xi32>
      %swap3A = arith.constant 0 : index
      %swap3A_48 = tpu.vector_load %arg5[%swap3A] {strides = array<i32>} : memref<128xi32, #tpu.memory_space<vmem>>, vector<16xi32>,
      %swap3A_49 = vector.shape_cast %swap3A_48 : vector<16xi32> to vector<16xi32>
      %swap3A_50 = vector.shape_cast %add3A_47 : vector<16xi32> to vector<16xi32>
      tpu.vector_store %arg5[%swap3A], %swap3A_50 {strides = array<i32>} : memref<128xi32, #tpu.memory_space<vmem>>, vector<16xi32>,
      %get3A_51 = arith.constant 16 : index
      %get3A_52 = tpu.vector_load %arg5[%get3A_51] {strides = array<i32>} : memref<128xi32, #tpu.memory_space<vmem>>, vector<16xi32>,
      %get3A_53 = vector.shape_cast %get3A_52 : vector<16xi32> to vector<16xi32>
      %add3A_54 = vector.broadcast %mul3A_43 : i32 to vector<16xi32>
      %add3A_55 = arith.addi %get3A_53, %add3A_54 : vector<16xi32>
      %swap3A_56 = arith.constant 16 : index
      %swap3A_57 = tpu.vector_load %arg5[%swap3A_56] {strides = array<i32>} : memref<128xi32, #tpu.memory_space<vmem>>, vector<16xi32>,
      %swap3A_58 = vector.shape_cast %swap3A_57 : vector<16xi32> to vector<16xi32>
      %swap3A_59 = vector.shape_cast %add3A_55 : vector<16xi32> to vector<16xi32>
      tpu.vector_store %arg5[%swap3A_56], %swap3A_59 {strides = array<i32>} : memref<128xi32, #tpu.memory_space<vmem>>, vector<16xi32>,
      %get3A_60 = arith.constant 32 : index
      %get3A_61 = tpu.vector_load %arg5[%get3A_60] {strides = array<i32>} : memref<128xi32, #tpu.memory_space<vmem>>, vector<16xi32>,
      %get3A_62 = vector.shape_cast %get3A_61 : vector<16xi32> to vector<16xi32>
      %add3A_63 = vector.broadcast %mul3A_43 : i32 to vector<16xi32>
      %add3A_64 = arith.addi %get3A_62, %add3A_63 : vector<16xi32>
      %swap3A_65 = arith.constant 32 : index
      %swap3A_66 = tpu.vector_load %arg5[%swap3A_65] {strides = array<i32>} : memref<128xi32, #tpu.memory_space<vmem>>, vector<16xi32>,
      %swap3A_67 = vector.shape_cast %swap3A_66 : vector<16xi32> to vector<16xi32>
      %swap3A_68 = vector.shape_cast %add3A_64 : vector<16xi32> to vector<16xi32>
      tpu.vector_store %arg5[%swap3A_65], %swap3A_68 {strides = array<i32>} : memref<128xi32, #tpu.memory_space<vmem>>, vector<16xi32>,
      %get3A_69 = arith.constant 48 : index
      %get3A_70 = tpu.vector_load %arg5[%get3A_69] {strides = array<i32>} : memref<128xi32, #tpu.memory_space<vmem>>, vector<16xi32>,
      %get3A_71 = vector.shape_cast %get3A_70 : vector<16xi32> to vector<16xi32>
      %add3A_72 = vector.broadcast %mul3A_43 : i32 to vector<16xi32>
      %add3A_73 = arith.addi %get3A_71, %add3A_72 : vector<16xi32>
      %swap3A_74 = arith.constant 48 : index
      %swap3A_75 = tpu.vector_load %arg5[%swap3A_74] {strides = array<i32>} : memref<128xi32, #tpu.memory_space<vmem>>, vector<16xi32>,
      %swap3A_76 = vector.shape_cast %swap3A_75 : vector<16xi32> to vector<16xi32>
      %swap3A_77 = vector.shape_cast %add3A_73 : vector<16xi32> to vector<16xi32>
      tpu.vector_store %arg5[%swap3A_74], %swap3A_77 {strides = array<i32>} : memref<128xi32, #tpu.memory_space<vmem>>, vector<16xi32>,
      %get3A_78 = arith.constant 64 : index
      %get3A_79 = tpu.vector_load %arg5[%get3A_78] {strides = array<i32>} : memref<128xi32, #tpu.memory_space<vmem>>, vector<16xi32>,
      %get3A_80 = vector.shape_cast %get3A_79 : vector<16xi32> to vector<16xi32>
      %add3A_81 = vector.broadcast %mul3A_43 : i32 to vector<16xi32>
      %add3A_82 = arith.addi %get3A_80, %add3A_81 : vector<16xi32>
      %swap3A_83 = arith.constant 64 : index
      %swap3A_84 = tpu.vector_load %arg5[%swap3A_83] {strides = array<i32>} : memref<128xi32, #tpu.memory_space<vmem>>, vector<16xi32>,
      %swap3A_85 = vector.shape_cast %swap3A_84 : vector<16xi32> to vector<16xi32>
      %swap3A_86 = vector.shape_cast %add3A_82 : vector<16xi32> to vector<16xi32>
      tpu.vector_store %arg5[%swap3A_83], %swap3A_86 {strides = array<i32>} : memref<128xi32, #tpu.memory_space<vmem>>, vector<16xi32>,
      %get3A_87 = arith.constant 80 : index
      %get3A_88 = tpu.vector_load %arg5[%get3A_87] {strides = array<i32>} : memref<128xi32, #tpu.memory_space<vmem>>, vector<16xi32>,
      %get3A_89 = vector.shape_cast %get3A_88 : vector<16xi32> to vector<16xi32>
      %add3A_90 = vector.broadcast %mul3A_43 : i32 to vector<16xi32>
      %add3A_91 = arith.addi %get3A_89, %add3A_90 : vector<16xi32>
      %swap3A_92 = arith.constant 80 : index
      %swap3A_93 = tpu.vector_load %arg5[%swap3A_92] {strides = array<i32>} : memref<128xi32, #tpu.memory_space<vmem>>, vector<16xi32>,
      %swap3A_94 = vector.shape_cast %swap3A_93 : vector<16xi32> to vector<16xi32>
      %swap3A_95 = vector.shape_cast %add3A_91 : vector<16xi32> to vector<16xi32>
      tpu.vector_store %arg5[%swap3A_92], %swap3A_95 {strides = array<i32>} : memref<128xi32, #tpu.memory_space<vmem>>, vector<16xi32>,
      %get3A_96 = arith.constant 96 : index
      %get3A_97 = tpu.vector_load %arg5[%get3A_96] {strides = array<i32>} : memref<128xi32, #tpu.memory_space<vmem>>, vector<16xi32>,
      %get3A_98 = vector.shape_cast %get3A_97 : vector<16xi32> to vector<16xi32>
      %add3A_99 = vector.broadcast %mul3A_43 : i32 to vector<16xi32>
      %add3A_100 = arith.addi %get3A_98, %add3A_99 : vector<16xi32>
      %swap3A_101 = arith.constant 96 : index
      %swap3A_102 = tpu.vector_load %arg5[%swap3A_101] {strides = array<i32>} : memref<128xi32, #tpu.memory_space<vmem>>, vector<16xi32>,
      %swap3A_103 = vector.shape_cast %swap3A_102 : vector<16xi32> to vector<16xi32>
      %swap3A_104 = vector.shape_cast %add3A_100 : vector<16xi32> to vector<16xi32>
      tpu.vector_store %arg5[%swap3A_101], %swap3A_104 {strides = array<i32>} : memref<128xi32, #tpu.memory_space<vmem>>, vector<16xi32>,
      %get3A_105 = arith.constant 112 : index
      %get3A_106 = tpu.vector_load %arg5[%get3A_105] {strides = array<i32>} : memref<128xi32, #tpu.memory_space<vmem>>, vector<16xi32>,
      %get3A_107 = vector.shape_cast %get3A_106 : vector<16xi32> to vector<16xi32>
      %add3A_108 = vector.broadcast %mul3A_43 : i32 to vector<16xi32>
      %add3A_109 = arith.addi %get3A_107, %add3A_108 : vector<16xi32>
      %swap3A_110 = arith.constant 112 : index
      %swap3A_111 = tpu.vector_load %arg5[%swap3A_110] {strides = array<i32>} : memref<128xi32, #tpu.memory_space<vmem>>, vector<16xi32>,
      %swap3A_112 = vector.shape_cast %swap3A_111 : vector<16xi32> to vector<16xi32>
      %swap3A_113 = vector.shape_cast %add3A_109 : vector<16xi32> to vector<16xi32>
      tpu.vector_store %arg5[%swap3A_110], %swap3A_113 {strides = array<i32>} : memref<128xi32, #tpu.memory_space<vmem>>, vector<16xi32>,
      %ge3A = arith.constant 2 : i32
      %ge3A_114 = arith.cmpi sge, %add3A_22, %ge3A : i32
      %convert_element_type3A = arith.extui %ge3A_114 : i1 to i32
      %cond3A = arith.constant 0 : i32
      %cond3A_115 = arith.cmpi ne, %convert_element_type3A, %cond3A : i32
      scf.if %cond3A_115 {
        %sub3A_245 = arith.constant 256 : i32
        %sub3A_246 = arith.subi %add3A_25, %sub3A_245 : i32
        %dma_wait3A_247 = arith.constant 0 : i32
        %dma_wait3A_248 = tpu.memref_slice %arg4[%sub3A_246, %dma_wait3A_247] : memref<163840x256xf32, #tpu.memory_space<hbm>> -> memref<128x256xf32, #tpu.memory_space<hbm>>
        %dma_wait3A_249 = arith.constant 0 : i32
        %dma_wait3A_250 = tpu.memref_slice %arg4[%sub3A_246, %dma_wait3A_249] : memref<163840x256xf32, #tpu.memory_space<hbm>> -> memref<128x256xf32, #tpu.memory_space<hbm>>
        tpu.wait_dma2 semaphore(%arg10 : memref<!tpu.dma_semaphore, #tpu.memory_space<semaphore_mem>>) src(%arg7 : memref<128x256xf32, #tpu.memory_space<vmem>>) dst(%dma_wait3A_250 : memref<128x256xf32, #tpu.memory_space<hbm>>)
      } else {
      }
      %dma_start3A = arith.constant 0 : i32
      %dma_start3A_116 = arith.constant 0 : i32
      %dma_start3A_117 = tpu.memref_slice %arg3[%dma_start3A, %dma_start3A_116] : memref<87040x256xf32, #tpu.memory_space<hbm>> -> memref<87040x256xf32, #tpu.memory_space<hbm>>
      tpu.enqueue_indirect_dma source(%dma_start3A_117 : memref<87040x256xf32, #tpu.memory_space<hbm>>) target(%arg7 : memref<128x256xf32, #tpu.memory_space<vmem>>) offsets(%arg5 : memref<128xi32, #tpu.memory_space<vmem>>) semaphore(%arg9 : memref<!tpu.dma_semaphore, #tpu.memory_space<semaphore_mem>>)
      %dma_wait3A_118 = arith.constant 0 : i32
      %dma_wait3A_119 = arith.constant 0 : i32
      %dma_wait3A_120 = tpu.memref_slice %arg3[%dma_wait3A_118, %dma_wait3A_119] : memref<87040x256xf32, #tpu.memory_space<hbm>> -> memref<87040x256xf32, #tpu.memory_space<hbm>>
      tpu.wait_indirect_dma semaphore(%arg9 : memref<!tpu.dma_semaphore, #tpu.memory_space<semaphore_mem>>) src(%dma_wait3A_120 : memref<87040x256xf32, #tpu.memory_space<hbm>>) dst(%arg7 : memref<128x256xf32, #tpu.memory_space<vmem>>)
      %dma_start3A_121 = arith.constant 0 : i32
      %dma_start3A_122 = tpu.memref_slice %arg4[%add3A_25, %dma_start3A_121] : memref<163840x256xf32, #tpu.memory_space<hbm>> -> memref<128x256xf32, #tpu.memory_space<hbm>>
      %dma_start3A_123 = arith.constant 0 : i32
      %dma_start3A_124 = tpu.memref_slice %arg4[%add3A_25, %dma_start3A_123] : memref<163840x256xf32, #tpu.memory_space<hbm>> -> memref<128x256xf32, #tpu.memory_space<hbm>>
      tpu.enqueue_dma source(%arg7 : memref<128x256xf32, #tpu.memory_space<vmem>>) target(%dma_start3A_124 : memref<128x256xf32, #tpu.memory_space<hbm>>) target_semaphore(%arg10 : memref<!tpu.dma_semaphore, #tpu.memory_space<semaphore_mem>>)
      %mul3A_125 = arith.constant 2 : i32
      %mul3A_126 = arith.muli %scan3A_18, %mul3A_125 : i32
      %add3A_127 = arith.constant 1 : i32
      %add3A_128 = arith.addi %mul3A_126, %add3A_127 : i32
      %mul3A_129 = arith.constant 128 : i32
      %mul3A_130 = arith.muli %add3A_128, %mul3A_129 : i32
      %add3A_131 = arith.addi %mul3A_2, %mul3A_130 : i32
      "tpu.region"() ({
        %run_scoped3A = tpu.sem_alloc : memref<!tpu.dma_semaphore, #tpu.memory_space<semaphore_mem>>
        %dma_start3A_245 = tpu.memref_slice %arg2[%add3A_131] : memref<163840xi32, #tpu.memory_space<hbm>> -> memref<128xi32, #tpu.memory_space<hbm>>
        %dma_start3A_246 = tpu.memref_slice %arg2[%add3A_131] : memref<163840xi32, #tpu.memory_space<hbm>> -> memref<128xi32, #tpu.memory_space<hbm>>
        tpu.enqueue_dma source(%dma_start3A_246 : memref<128xi32, #tpu.memory_space<hbm>>) target(%arg6 : memref<128xi32, #tpu.memory_space<vmem>>) target_semaphore(%run_scoped3A : memref<!tpu.dma_semaphore, #tpu.memory_space<semaphore_mem>>)
        %dma_wait3A_247 = tpu.memref_slice %arg2[%add3A_131] : memref<163840xi32, #tpu.memory_space<hbm>> -> memref<128xi32, #tpu.memory_space<hbm>>
        %dma_wait3A_248 = tpu.memref_slice %arg2[%add3A_131] : memref<163840xi32, #tpu.memory_space<hbm>> -> memref<128xi32, #tpu.memory_space<hbm>>
        tpu.wait_dma2 semaphore(%run_scoped3A : memref<!tpu.dma_semaphore, #tpu.memory_space<semaphore_mem>>) src(%dma_wait3A_248 : memref<128xi32, #tpu.memory_space<hbm>>) dst(%arg6 : memref<128xi32, #tpu.memory_space<vmem>>)
        tpu.yield
      }) : () -> ()
      %jit3A_132 = arith.constant 16384 : i32
      %div3A_133 = arith.divsi %add3A_131, %jit3A_132 : i32
      %sign3A_134 = arith.constant 0 : i32
      %sign3A_135 = arith.cmpi sgt, %add3A_131, %sign3A_134 : i32
      %sign3A_136 = arith.extui %sign3A_135 : i1 to i32
      %sign3A_137 = arith.constant 0 : i32
      %sign3A_138 = arith.cmpi slt, %add3A_131, %sign3A_137 : i32
      %sign3A_139 = arith.extui %sign3A_138 : i1 to i32
      %sign3A_140 = arith.subi %sign3A_136, %sign3A_139 : i32
      %sign3A_141 = arith.constant 0 : i32
      %sign3A_142 = arith.cmpi sgt, %jit3A_132, %sign3A_141 : i32
      %sign3A_143 = arith.extui %sign3A_142 : i1 to i32
      %sign3A_144 = arith.constant 0 : i32
      %sign3A_145 = arith.cmpi slt, %jit3A_132, %sign3A_144 : i32
      %sign3A_146 = arith.extui %sign3A_145 : i1 to i32
      %sign3A_147 = arith.subi %sign3A_143, %sign3A_146 : i32
      %ne3A_148 = arith.cmpi ne, %sign3A_140, %sign3A_147 : i32
      %rem3A_149 = arith.remsi %add3A_131, %jit3A_132 : i32
      %ne3A_150 = arith.constant 0 : i32
      %ne3A_151 = arith.cmpi ne, %rem3A_149, %ne3A_150 : i32
      %and3A_152 = arith.andi %ne3A_148, %ne3A_151 : i1
      %sub3A_153 = arith.constant 1 : i32
      %sub3A_154 = arith.subi %div3A_133, %sub3A_153 : i32
      %select_n3A_155 = arith.select %and3A_152, %sub3A_154, %div3A_133 : i32
      %mul3A_156 = arith.constant 1024 : i32
      %mul3A_157 = arith.muli %select_n3A_155, %mul3A_156 : i32
      %get3A_158 = arith.constant 0 : index
      %get3A_159 = tpu.vector_load %arg6[%get3A_158] {strides = array<i32>} : memref<128xi32, #tpu.memory_space<vmem>>, vector<16xi32>,
      %get3A_160 = vector.shape_cast %get3A_159 : vector<16xi32> to vector<16xi32>
      %add3A_161 = vector.broadcast %mul3A_157 : i32 to vector<16xi32>
      %add3A_162 = arith.addi %get3A_160, %add3A_161 : vector<16xi32>
      %swap3A_163 = arith.constant 0 : index
      %swap3A_164 = tpu.vector_load %arg6[%swap3A_163] {strides = array<i32>} : memref<128xi32, #tpu.memory_space<vmem>>, vector<16xi32>,
      %swap3A_165 = vector.shape_cast %swap3A_164 : vector<16xi32> to vector<16xi32>
      %swap3A_166 = vector.shape_cast %add3A_162 : vector<16xi32> to vector<16xi32>
      tpu.vector_store %arg6[%swap3A_163], %swap3A_166 {strides = array<i32>} : memref<128xi32, #tpu.memory_space<vmem>>, vector<16xi32>,
      %get3A_167 = arith.constant 16 : index
      %get3A_168 = tpu.vector_load %arg6[%get3A_167] {strides = array<i32>} : memref<128xi32, #tpu.memory_space<vmem>>, vector<16xi32>,
      %get3A_169 = vector.shape_cast %get3A_168 : vector<16xi32> to vector<16xi32>
      %add3A_170 = vector.broadcast %mul3A_157 : i32 to vector<16xi32>
      %add3A_171 = arith.addi %get3A_169, %add3A_170 : vector<16xi32>
      %swap3A_172 = arith.constant 16 : index
      %swap3A_173 = tpu.vector_load %arg6[%swap3A_172] {strides = array<i32>} : memref<128xi32, #tpu.memory_space<vmem>>, vector<16xi32>,
      %swap3A_174 = vector.shape_cast %swap3A_173 : vector<16xi32> to vector<16xi32>
      %swap3A_175 = vector.shape_cast %add3A_171 : vector<16xi32> to vector<16xi32>
      tpu.vector_store %arg6[%swap3A_172], %swap3A_175 {strides = array<i32>} : memref<128xi32, #tpu.memory_space<vmem>>, vector<16xi32>,
      %get3A_176 = arith.constant 32 : index
      %get3A_177 = tpu.vector_load %arg6[%get3A_176] {strides = array<i32>} : memref<128xi32, #tpu.memory_space<vmem>>, vector<16xi32>,
      %get3A_178 = vector.shape_cast %get3A_177 : vector<16xi32> to vector<16xi32>
      %add3A_179 = vector.broadcast %mul3A_157 : i32 to vector<16xi32>
      %add3A_180 = arith.addi %get3A_178, %add3A_179 : vector<16xi32>
      %swap3A_181 = arith.constant 32 : index
      %swap3A_182 = tpu.vector_load %arg6[%swap3A_181] {strides = array<i32>} : memref<128xi32, #tpu.memory_space<vmem>>, vector<16xi32>,
      %swap3A_183 = vector.shape_cast %swap3A_182 : vector<16xi32> to vector<16xi32>
      %swap3A_184 = vector.shape_cast %add3A_180 : vector<16xi32> to vector<16xi32>
      tpu.vector_store %arg6[%swap3A_181], %swap3A_184 {strides = array<i32>} : memref<128xi32, #tpu.memory_space<vmem>>, vector<16xi32>,
      %get3A_185 = arith.constant 48 : index
      %get3A_186 = tpu.vector_load %arg6[%get3A_185] {strides = array<i32>} : memref<128xi32, #tpu.memory_space<vmem>>, vector<16xi32>,
      %get3A_187 = vector.shape_cast %get3A_186 : vector<16xi32> to vector<16xi32>
      %add3A_188 = vector.broadcast %mul3A_157 : i32 to vector<16xi32>
      %add3A_189 = arith.addi %get3A_187, %add3A_188 : vector<16xi32>
      %swap3A_190 = arith.constant 48 : index
      %swap3A_191 = tpu.vector_load %arg6[%swap3A_190] {strides = array<i32>} : memref<128xi32, #tpu.memory_space<vmem>>, vector<16xi32>,
      %swap3A_192 = vector.shape_cast %swap3A_191 : vector<16xi32> to vector<16xi32>
      %swap3A_193 = vector.shape_cast %add3A_189 : vector<16xi32> to vector<16xi32>
      tpu.vector_store %arg6[%swap3A_190], %swap3A_193 {strides = array<i32>} : memref<128xi32, #tpu.memory_space<vmem>>, vector<16xi32>,
      %get3A_194 = arith.constant 64 : index
      %get3A_195 = tpu.vector_load %arg6[%get3A_194] {strides = array<i32>} : memref<128xi32, #tpu.memory_space<vmem>>, vector<16xi32>,
      %get3A_196 = vector.shape_cast %get3A_195 : vector<16xi32> to vector<16xi32>
      %add3A_197 = vector.broadcast %mul3A_157 : i32 to vector<16xi32>
      %add3A_198 = arith.addi %get3A_196, %add3A_197 : vector<16xi32>
      %swap3A_199 = arith.constant 64 : index
      %swap3A_200 = tpu.vector_load %arg6[%swap3A_199] {strides = array<i32>} : memref<128xi32, #tpu.memory_space<vmem>>, vector<16xi32>,
      %swap3A_201 = vector.shape_cast %swap3A_200 : vector<16xi32> to vector<16xi32>
      %swap3A_202 = vector.shape_cast %add3A_198 : vector<16xi32> to vector<16xi32>
      tpu.vector_store %arg6[%swap3A_199], %swap3A_202 {strides = array<i32>} : memref<128xi32, #tpu.memory_space<vmem>>, vector<16xi32>,
      %get3A_203 = arith.constant 80 : index
      %get3A_204 = tpu.vector_load %arg6[%get3A_203] {strides = array<i32>} : memref<128xi32, #tpu.memory_space<vmem>>, vector<16xi32>,
      %get3A_205 = vector.shape_cast %get3A_204 : vector<16xi32> to vector<16xi32>
      %add3A_206 = vector.broadcast %mul3A_157 : i32 to vector<16xi32>
      %add3A_207 = arith.addi %get3A_205, %add3A_206 : vector<16xi32>
      %swap3A_208 = arith.constant 80 : index
      %swap3A_209 = tpu.vector_load %arg6[%swap3A_208] {strides = array<i32>} : memref<128xi32, #tpu.memory_space<vmem>>, vector<16xi32>,
      %swap3A_210 = vector.shape_cast %swap3A_209 : vector<16xi32> to vector<16xi32>
      %swap3A_211 = vector.shape_cast %add3A_207 : vector<16xi32> to vector<16xi32>
      tpu.vector_store %arg6[%swap3A_208], %swap3A_211 {strides = array<i32>} : memref<128xi32, #tpu.memory_space<vmem>>, vector<16xi32>,
      %get3A_212 = arith.constant 96 : index
      %get3A_213 = tpu.vector_load %arg6[%get3A_212] {strides = array<i32>} : memref<128xi32, #tpu.memory_space<vmem>>, vector<16xi32>,
      %get3A_214 = vector.shape_cast %get3A_213 : vector<16xi32> to vector<16xi32>
      %add3A_215 = vector.broadcast %mul3A_157 : i32 to vector<16xi32>
      %add3A_216 = arith.addi %get3A_214, %add3A_215 : vector<16xi32>
      %swap3A_217 = arith.constant 96 : index
      %swap3A_218 = tpu.vector_load %arg6[%swap3A_217] {strides = array<i32>} : memref<128xi32, #tpu.memory_space<vmem>>, vector<16xi32>,
      %swap3A_219 = vector.shape_cast %swap3A_218 : vector<16xi32> to vector<16xi32>
      %swap3A_220 = vector.shape_cast %add3A_216 : vector<16xi32> to vector<16xi32>
      tpu.vector_store %arg6[%swap3A_217], %swap3A_220 {strides = array<i32>} : memref<128xi32, #tpu.memory_space<vmem>>, vector<16xi32>,
      %get3A_221 = arith.constant 112 : index
      %get3A_222 = tpu.vector_load %arg6[%get3A_221] {strides = array<i32>} : memref<128xi32, #tpu.memory_space<vmem>>, vector<16xi32>,
      %get3A_223 = vector.shape_cast %get3A_222 : vector<16xi32> to vector<16xi32>
      %add3A_224 = vector.broadcast %mul3A_157 : i32 to vector<16xi32>
      %add3A_225 = arith.addi %get3A_223, %add3A_224 : vector<16xi32>
      %swap3A_226 = arith.constant 112 : index
      %swap3A_227 = tpu.vector_load %arg6[%swap3A_226] {strides = array<i32>} : memref<128xi32, #tpu.memory_space<vmem>>, vector<16xi32>,
      %swap3A_228 = vector.shape_cast %swap3A_227 : vector<16xi32> to vector<16xi32>
      %swap3A_229 = vector.shape_cast %add3A_225 : vector<16xi32> to vector<16xi32>
      tpu.vector_store %arg6[%swap3A_226], %swap3A_229 {strides = array<i32>} : memref<128xi32, #tpu.memory_space<vmem>>, vector<16xi32>,
      %ge3A_230 = arith.constant 2 : i32
      %ge3A_231 = arith.cmpi sge, %add3A_128, %ge3A_230 : i32
      %convert_element_type3A_232 = arith.extui %ge3A_231 : i1 to i32
      %cond3A_233 = arith.constant 0 : i32
      %cond3A_234 = arith.cmpi ne, %convert_element_type3A_232, %cond3A_233 : i32
      scf.if %cond3A_234 {
        %sub3A_245 = arith.constant 256 : i32
        %sub3A_246 = arith.subi %add3A_131, %sub3A_245 : i32
        %dma_wait3A_247 = arith.constant 0 : i32
        %dma_wait3A_248 = tpu.memref_slice %arg4[%sub3A_246, %dma_wait3A_247] : memref<163840x256xf32, #tpu.memory_space<hbm>> -> memref<128x256xf32, #tpu.memory_space<hbm>>
        %dma_wait3A_249 = arith.constant 0 : i32
        %dma_wait3A_250 = tpu.memref_slice %arg4[%sub3A_246, %dma_wait3A_249] : memref<163840x256xf32, #tpu.memory_space<hbm>> -> memref<128x256xf32, #tpu.memory_space<hbm>>
        tpu.wait_dma2 semaphore(%arg11 : memref<!tpu.dma_semaphore, #tpu.memory_space<semaphore_mem>>) src(%arg8 : memref<128x256xf32, #tpu.memory_space<vmem>>) dst(%dma_wait3A_250 : memref<128x256xf32, #tpu.memory_space<hbm>>)
      } else {
      }
      %dma_start3A_235 = arith.constant 0 : i32
      %dma_start3A_236 = arith.constant 0 : i32
      %dma_start3A_237 = tpu.memref_slice %arg3[%dma_start3A_235, %dma_start3A_236] : memref<87040x256xf32, #tpu.memory_space<hbm>> -> memref<87040x256xf32, #tpu.memory_space<hbm>>
      tpu.enqueue_indirect_dma source(%dma_start3A_237 : memref<87040x256xf32, #tpu.memory_space<hbm>>) target(%arg8 : memref<128x256xf32, #tpu.memory_space<vmem>>) offsets(%arg6 : memref<128xi32, #tpu.memory_space<vmem>>) semaphore(%arg9 : memref<!tpu.dma_semaphore, #tpu.memory_space<semaphore_mem>>)
      %dma_wait3A_238 = arith.constant 0 : i32
      %dma_wait3A_239 = arith.constant 0 : i32
      %dma_wait3A_240 = tpu.memref_slice %arg3[%dma_wait3A_238, %dma_wait3A_239] : memref<87040x256xf32, #tpu.memory_space<hbm>> -> memref<87040x256xf32, #tpu.memory_space<hbm>>
      tpu.wait_indirect_dma semaphore(%arg9 : memref<!tpu.dma_semaphore, #tpu.memory_space<semaphore_mem>>) src(%dma_wait3A_240 : memref<87040x256xf32, #tpu.memory_space<hbm>>) dst(%arg8 : memref<128x256xf32, #tpu.memory_space<vmem>>)
      %dma_start3A_241 = arith.constant 0 : i32
      %dma_start3A_242 = tpu.memref_slice %arg4[%add3A_131, %dma_start3A_241] : memref<163840x256xf32, #tpu.memory_space<hbm>> -> memref<128x256xf32, #tpu.memory_space<hbm>>
      %dma_start3A_243 = arith.constant 0 : i32
      %dma_start3A_244 = tpu.memref_slice %arg4[%add3A_131, %dma_start3A_243] : memref<163840x256xf32, #tpu.memory_space<hbm>> -> memref<128x256xf32, #tpu.memory_space<hbm>>
      tpu.enqueue_dma source(%arg8 : memref<128x256xf32, #tpu.memory_space<vmem>>) target(%dma_start3A_244 : memref<128x256xf32, #tpu.memory_space<hbm>>) target_semaphore(%arg11 : memref<!tpu.dma_semaphore, #tpu.memory_space<semaphore_mem>>)
    }
    %scan3A_6 = arith.constant 20 : i32
    %add3A_7 = arith.constant 4864 : i32
    %add3A_8 = arith.addi %mul3A_2, %add3A_7 : i32
    %dma_wait3A = arith.constant 0 : i32
    %dma_wait3A_9 = tpu.memref_slice %arg4[%add3A_8, %dma_wait3A] : memref<163840x256xf32, #tpu.memory_space<hbm>> -> memref<128x256xf32, #tpu.memory_space<hbm>>
    %dma_wait3A_10 = arith.constant 0 : i32
    %dma_wait3A_11 = tpu.memref_slice %arg4[%add3A_8, %dma_wait3A_10] : memref<163840x256xf32, #tpu.memory_space<hbm>> -> memref<128x256xf32, #tpu.memory_space<hbm>>
    tpu.wait_dma2 semaphore(%arg10 : memref<!tpu.dma_semaphore, #tpu.memory_space<semaphore_mem>>) src(%arg7 : memref<128x256xf32, #tpu.memory_space<vmem>>) dst(%dma_wait3A_11 : memref<128x256xf32, #tpu.memory_space<hbm>>)
    %add3A_12 = arith.constant 4992 : i32
    %add3A_13 = arith.addi %mul3A_2, %add3A_12 : i32
    %dma_wait3A_14 = arith.constant 0 : i32
    %dma_wait3A_15 = tpu.memref_slice %arg4[%add3A_13, %dma_wait3A_14] : memref<163840x256xf32, #tpu.memory_space<hbm>> -> memref<128x256xf32, #tpu.memory_space<hbm>>
    %dma_wait3A_16 = arith.constant 0 : i32
    %dma_wait3A_17 = tpu.memref_slice %arg4[%add3A_13, %dma_wait3A_16] : memref<163840x256xf32, #tpu.memory_space<hbm>> -> memref<128x256xf32, #tpu.memory_space<hbm>>
    tpu.wait_dma2 semaphore(%arg11 : memref<!tpu.dma_semaphore, #tpu.memory_space<semaphore_mem>>) src(%arg8 : memref<128x256xf32, #tpu.memory_space<vmem>>) dst(%dma_wait3A_17 : memref<128x256xf32, #tpu.memory_space<hbm>>)
    return
  }
}

module attributes {stable_mosaic.version = 14 : i64} {
  func.func @_vq_tc_body(%arg0: i32, %arg1: memref<512x256xf32, #tpu.memory_space<vmem>>, %arg2: memref<512x256xf32, #tpu.memory_space<vmem>>, %arg3: memref<512x256xf32, #tpu.memory_space<vmem>>, %arg4: memref<512x256xf32, #tpu.memory_space<vmem>>, %arg5: memref<512x256xf32, #tpu.memory_space<vmem>>, %arg6: memref<1024x256xf32, #tpu.memory_space<vmem>>, %arg7: memref<1024x256xf32, #tpu.memory_space<vmem>>, %arg8: memref<1024x256xf32, #tpu.memory_space<vmem>>, %arg9: memref<1024x256xf32, #tpu.memory_space<vmem>>, %arg10: memref<1024x256xf32, #tpu.memory_space<vmem>>, %arg11: memref<512xi32, #tpu.memory_space<vmem>>, %arg12: memref<512xi32, #tpu.memory_space<vmem>>, %arg13: memref<512xi32, #tpu.memory_space<vmem>>, %arg14: memref<512xi32, #tpu.memory_space<vmem>>, %arg15: memref<512xi32, #tpu.memory_space<vmem>>, %arg16: memref<1x1xf32, #tpu.memory_space<smem>>, %arg17: memref<1x1xf32, #tpu.memory_space<smem>>, %arg18: memref<1x1xf32, #tpu.memory_space<smem>>, %arg19: memref<1x1xf32, #tpu.memory_space<smem>>, %arg20: memref<1x1xf32, #tpu.memory_space<smem>>) attributes {dimension_semantics = [#tpu.dimension_semantics<arbitrary>], iteration_bounds = array<i64: 32>, scalar_prefetch = 0 : i64, scratch_operands = 0 : i64, tpu.core_type = #tpu.core_type<tc>, window_params = [{transform_indices = @transform_0, window_bounds = array<i64: 512, 256>}, {transform_indices = @transform_1, window_bounds = array<i64: 512, 256>}, {transform_indices = @transform_2, window_bounds = array<i64: 512, 256>}, {transform_indices = @transform_3, window_bounds = array<i64: 512, 256>}, {transform_indices = @transform_4, window_bounds = array<i64: 512, 256>}, {pipeline_mode = #tpu.pipeline_mode<synchronous>, transform_indices = @transform_5, window_bounds = array<i64: 1024, 256>}, {transform_indices = @transform_6, window_bounds = array<i64: 1024, 256>}, {pipeline_mode = #tpu.pipeline_mode<synchronous>, transform_indices = @transform_7, window_bounds = array<i64: 1024, 256>}, {transform_indices = @transform_8, window_bounds = array<i64: 1024, 256>}, {pipeline_mode = #tpu.pipeline_mode<synchronous>, transform_indices = @transform_9, window_bounds = array<i64: 1024, 256>}, {transform_indices = @transform_10, window_bounds = array<i64: 512>}, {transform_indices = @transform_11, window_bounds = array<i64: 512>}, {transform_indices = @transform_12, window_bounds = array<i64: 512>}, {transform_indices = @transform_13, window_bounds = array<i64: 512>}, {transform_indices = @transform_14, window_bounds = array<i64: 512>}, {transform_indices = @transform_15, window_bounds = array<i64: 1, 1>}, {transform_indices = @transform_16, window_bounds = array<i64: 1, 1>}, {transform_indices = @transform_17, window_bounds = array<i64: 1, 1>}, {transform_indices = @transform_18, window_bounds = array<i64: 1, 1>}, {transform_indices = @transform_19, window_bounds = array<i64: 1, 1>}]} {
    %eq3A = arith.constant 0 : i32
    %eq3A_0 = arith.cmpi eq, %arg0, %eq3A : i32
    %convert_element_type3A = arith.extui %eq3A_0 : i1 to i32
    %cond3A = arith.constant 0 : i32
    %cond3A_1 = arith.cmpi ne, %convert_element_type3A, %cond3A : i32
    scf.if %cond3A_1 {
      %swap3A_240 = arith.constant 0.000000e+00 : f32
      %swap3A_241 = arith.constant 0 : index
      %swap3A_242 = arith.constant 0 : index
      %swap3A_243 = memref.load %arg16[%swap3A_241, %swap3A_242] : memref<1x1xf32, #tpu.memory_space<smem>>
      memref.store %swap3A_240, %arg16[%swap3A_241, %swap3A_242] : memref<1x1xf32, #tpu.memory_space<smem>>
      %swap3A_244 = arith.constant 0.000000e+00 : f32
      %swap3A_245 = arith.constant 0 : index
      %swap3A_246 = arith.constant 0 : index
      %swap3A_247 = memref.load %arg17[%swap3A_245, %swap3A_246] : memref<1x1xf32, #tpu.memory_space<smem>>
      memref.store %swap3A_244, %arg17[%swap3A_245, %swap3A_246] : memref<1x1xf32, #tpu.memory_space<smem>>
      %swap3A_248 = arith.constant 0.000000e+00 : f32
      %swap3A_249 = arith.constant 0 : index
      %swap3A_250 = arith.constant 0 : index
      %swap3A_251 = memref.load %arg18[%swap3A_249, %swap3A_250] : memref<1x1xf32, #tpu.memory_space<smem>>
      memref.store %swap3A_248, %arg18[%swap3A_249, %swap3A_250] : memref<1x1xf32, #tpu.memory_space<smem>>
      %swap3A_252 = arith.constant 0.000000e+00 : f32
      %swap3A_253 = arith.constant 0 : index
      %swap3A_254 = arith.constant 0 : index
      %swap3A_255 = memref.load %arg19[%swap3A_253, %swap3A_254] : memref<1x1xf32, #tpu.memory_space<smem>>
      memref.store %swap3A_252, %arg19[%swap3A_253, %swap3A_254] : memref<1x1xf32, #tpu.memory_space<smem>>
      %swap3A_256 = arith.constant 0.000000e+00 : f32
      %swap3A_257 = arith.constant 0 : index
      %swap3A_258 = arith.constant 0 : index
      %swap3A_259 = memref.load %arg20[%swap3A_257, %swap3A_258] : memref<1x1xf32, #tpu.memory_space<smem>>
      memref.store %swap3A_256, %arg20[%swap3A_257, %swap3A_258] : memref<1x1xf32, #tpu.memory_space<smem>>
    } else {
    }
    %get3A = arith.constant 0 : index
    %get3A_2 = arith.constant 0 : index
    %get3A_3 = vector.load %arg1[%get3A, %get3A_2] : memref<512x256xf32, #tpu.memory_space<vmem>>, vector<512x256xf32>
    %get3A_4 = arith.constant 0 : index
    %get3A_5 = arith.constant 0 : index
    %get3A_6 = vector.load %arg6[%get3A_4, %get3A_5] : memref<1024x256xf32, #tpu.memory_space<vmem>>, vector<1024x256xf32>
    %dot_general3A = arith.constant dense<0.000000e+00> : vector<512x1024xf32>
    %dot_general3A_7 = tpu.matmul %get3A_3, %get3A_6, %dot_general3A {dimension_numbers = #tpu.dot_dimension_numbers<[1], [1], [0], [0], [0, 0, 1, 0], [], []>, transpose_lhs_hint = false} : vector<512x256xf32>, vector<1024x256xf32>, vector<512x1024xf32> -> vector<512x1024xf32>
    %mul3A = arith.mulf %get3A_3, %get3A_3 : vector<512x256xf32>
    %reduce_sum3A = arith.constant dense<0.000000e+00> : vector<512xf32>
    %reduce_sum3A_8 = vector.multi_reduction <add>, %mul3A, %reduce_sum3A [1] : vector<512x256xf32> to vector<512xf32>
    %broadcast_in_dim3A = vector.shape_cast %reduce_sum3A_8 : vector<512xf32> to vector<512x1xf32>
    %mul3A_9 = arith.mulf %get3A_6, %get3A_6 : vector<1024x256xf32>
    %reduce_sum3A_10 = arith.constant dense<0.000000e+00> : vector<1024xf32>
    %reduce_sum3A_11 = vector.multi_reduction <add>, %mul3A_9, %reduce_sum3A_10 [1] : vector<1024x256xf32> to vector<1024xf32>
    %broadcast_in_dim3A_12 = vector.shape_cast %reduce_sum3A_11 : vector<1024xf32> to vector<1x1024xf32>
    %add3A = vector.broadcast %broadcast_in_dim3A : vector<512x1xf32> to vector<512x1024xf32>
    %add3A_13 = vector.broadcast %broadcast_in_dim3A_12 : vector<1x1024xf32> to vector<512x1024xf32>
    %add3A_14 = arith.addf %add3A, %add3A_13 : vector<512x1024xf32>
    %mul3A_15 = arith.constant 2.000000e+00 : f32
    %mul3A_16 = vector.broadcast %mul3A_15 : f32 to vector<512x1024xf32>
    %mul3A_17 = arith.mulf %mul3A_16, %dot_general3A_7 : vector<512x1024xf32>
    %sub3A = arith.subf %add3A_14, %mul3A_17 : vector<512x1024xf32>
    %reduce_min3A = arith.constant dense<0x7F800000> : vector<512xf32>
    %reduce_min3A_18 = vector.multi_reduction <minimumf>, %sub3A, %reduce_min3A [1] : vector<512x1024xf32> to vector<512xf32>
    %broadcast_in_dim3A_19 = vector.shape_cast %reduce_min3A_18 : vector<512xf32> to vector<512x1xf32>
    %iota3A = tpu.iota {dimensions = array<i32: 1>} : vector<512x1024xi32>
    %convert_element_type3A_20 = arith.sitofp %iota3A : vector<512x1024xi32> to vector<512x1024xf32>
    %eq3A_21 = vector.broadcast %broadcast_in_dim3A_19 : vector<512x1xf32> to vector<512x1024xf32>
    %eq3A_22 = arith.cmpf oeq, %sub3A, %eq3A_21 : vector<512x1024xf32>
    %jit3A = arith.constant 1.024000e+03 : f32
    %broadcast_in_dim3A_23 = vector.broadcast %jit3A : f32 to vector<512x1024xf32>
    %select_n3A = arith.select %eq3A_22, %convert_element_type3A_20, %broadcast_in_dim3A_23 : vector<512x1024xi1>, vector<512x1024xf32>
    %reduce_min3A_24 = arith.constant dense<0x7F800000> : vector<512xf32>
    %reduce_min3A_25 = vector.multi_reduction <minimumf>, %select_n3A, %reduce_min3A_24 [1] : vector<512x1024xf32> to vector<512xf32>
    %convert_element_type3A_26 = arith.fptosi %reduce_min3A_25 : vector<512xf32> to vector<512xi32>
    %swap3A = arith.constant 0 : index
    %swap3A_27 = vector.load %arg11[%swap3A] : memref<512xi32, #tpu.memory_space<vmem>>, vector<512xi32>
    tpu.vector_store %arg11[%swap3A], %convert_element_type3A_26 {strides = array<i32>} : memref<512xi32, #tpu.memory_space<vmem>>, vector<512xi32>,
    %get3A_28 = arith.constant 0 : index
    %get3A_29 = arith.constant 0 : index
    %get3A_30 = memref.load %arg16[%get3A_28, %get3A_29] : memref<1x1xf32, #tpu.memory_space<smem>>
    %reduce_sum3A_31 = vector.shape_cast %broadcast_in_dim3A_19 : vector<512x1xf32> to vector<1x512x1xf32>
    %reduce_sum3A_32 = arith.constant dense<0.000000e+00> : vector<1xf32>
    %reduce_sum3A_33 = vector.multi_reduction <add>, %reduce_sum3A_31, %reduce_sum3A_32 [1, 2] : vector<1x512x1xf32> to vector<1xf32>
    %reduce_sum3A_34 = vector.shape_cast %reduce_sum3A_33 : vector<1xf32> to vector<1x1x1xf32>
    %reduce_sum3A_35 = vector.extract %reduce_sum3A_34[0, 0, 0] : f32 from vector<1x1x1xf32>
    %add3A_36 = arith.addf %get3A_30, %reduce_sum3A_35 : f32
    %swap3A_37 = arith.constant 0 : index
    %swap3A_38 = arith.constant 0 : index
    %swap3A_39 = memref.load %arg16[%swap3A_37, %swap3A_38] : memref<1x1xf32, #tpu.memory_space<smem>>
    memref.store %add3A_36, %arg16[%swap3A_37, %swap3A_38] : memref<1x1xf32, #tpu.memory_space<smem>>
    %get3A_40 = arith.constant 0 : index
    %get3A_41 = arith.constant 0 : index
    %get3A_42 = vector.load %arg2[%get3A_40, %get3A_41] : memref<512x256xf32, #tpu.memory_space<vmem>>, vector<512x256xf32>
    %get3A_43 = arith.constant 0 : index
    %get3A_44 = arith.constant 0 : index
    %get3A_45 = vector.load %arg7[%get3A_43, %get3A_44] : memref<1024x256xf32, #tpu.memory_space<vmem>>, vector<1024x256xf32>
    %dot_general3A_46 = arith.constant dense<0.000000e+00> : vector<512x1024xf32>
    %dot_general3A_47 = tpu.matmul %get3A_42, %get3A_45, %dot_general3A_46 {dimension_numbers = #tpu.dot_dimension_numbers<[1], [1], [0], [0], [0, 0, 1, 0], [], []>, transpose_lhs_hint = false} : vector<512x256xf32>, vector<1024x256xf32>, vector<512x1024xf32> -> vector<512x1024xf32>
    %mul3A_48 = arith.mulf %get3A_42, %get3A_42 : vector<512x256xf32>
    %reduce_sum3A_49 = arith.constant dense<0.000000e+00> : vector<512xf32>
    %reduce_sum3A_50 = vector.multi_reduction <add>, %mul3A_48, %reduce_sum3A_49 [1] : vector<512x256xf32> to vector<512xf32>
    %broadcast_in_dim3A_51 = vector.shape_cast %reduce_sum3A_50 : vector<512xf32> to vector<512x1xf32>
    %mul3A_52 = arith.mulf %get3A_45, %get3A_45 : vector<1024x256xf32>
    %reduce_sum3A_53 = arith.constant dense<0.000000e+00> : vector<1024xf32>
    %reduce_sum3A_54 = vector.multi_reduction <add>, %mul3A_52, %reduce_sum3A_53 [1] : vector<1024x256xf32> to vector<1024xf32>
    %broadcast_in_dim3A_55 = vector.shape_cast %reduce_sum3A_54 : vector<1024xf32> to vector<1x1024xf32>
    %add3A_56 = vector.broadcast %broadcast_in_dim3A_51 : vector<512x1xf32> to vector<512x1024xf32>
    %add3A_57 = vector.broadcast %broadcast_in_dim3A_55 : vector<1x1024xf32> to vector<512x1024xf32>
    %add3A_58 = arith.addf %add3A_56, %add3A_57 : vector<512x1024xf32>
    %mul3A_59 = arith.constant 2.000000e+00 : f32
    %mul3A_60 = vector.broadcast %mul3A_59 : f32 to vector<512x1024xf32>
    %mul3A_61 = arith.mulf %mul3A_60, %dot_general3A_47 : vector<512x1024xf32>
    %sub3A_62 = arith.subf %add3A_58, %mul3A_61 : vector<512x1024xf32>
    %reduce_min3A_63 = arith.constant dense<0x7F800000> : vector<512xf32>
    %reduce_min3A_64 = vector.multi_reduction <minimumf>, %sub3A_62, %reduce_min3A_63 [1] : vector<512x1024xf32> to vector<512xf32>
    %broadcast_in_dim3A_65 = vector.shape_cast %reduce_min3A_64 : vector<512xf32> to vector<512x1xf32>
    %iota3A_66 = tpu.iota {dimensions = array<i32: 1>} : vector<512x1024xi32>
    %convert_element_type3A_67 = arith.sitofp %iota3A_66 : vector<512x1024xi32> to vector<512x1024xf32>
    %eq3A_68 = vector.broadcast %broadcast_in_dim3A_65 : vector<512x1xf32> to vector<512x1024xf32>
    %eq3A_69 = arith.cmpf oeq, %sub3A_62, %eq3A_68 : vector<512x1024xf32>
    %jit3A_70 = arith.constant 1.024000e+03 : f32
    %broadcast_in_dim3A_71 = vector.broadcast %jit3A_70 : f32 to vector<512x1024xf32>
    %select_n3A_72 = arith.select %eq3A_69, %convert_element_type3A_67, %broadcast_in_dim3A_71 : vector<512x1024xi1>, vector<512x1024xf32>
    %reduce_min3A_73 = arith.constant dense<0x7F800000> : vector<512xf32>
    %reduce_min3A_74 = vector.multi_reduction <minimumf>, %select_n3A_72, %reduce_min3A_73 [1] : vector<512x1024xf32> to vector<512xf32>
    %convert_element_type3A_75 = arith.fptosi %reduce_min3A_74 : vector<512xf32> to vector<512xi32>
    %swap3A_76 = arith.constant 0 : index
    %swap3A_77 = vector.load %arg12[%swap3A_76] : memref<512xi32, #tpu.memory_space<vmem>>, vector<512xi32>
    tpu.vector_store %arg12[%swap3A_76], %convert_element_type3A_75 {strides = array<i32>} : memref<512xi32, #tpu.memory_space<vmem>>, vector<512xi32>,
    %get3A_78 = arith.constant 0 : index
    %get3A_79 = arith.constant 0 : index
    %get3A_80 = memref.load %arg17[%get3A_78, %get3A_79] : memref<1x1xf32, #tpu.memory_space<smem>>
    %reduce_sum3A_81 = vector.shape_cast %broadcast_in_dim3A_65 : vector<512x1xf32> to vector<1x512x1xf32>
    %reduce_sum3A_82 = arith.constant dense<0.000000e+00> : vector<1xf32>
    %reduce_sum3A_83 = vector.multi_reduction <add>, %reduce_sum3A_81, %reduce_sum3A_82 [1, 2] : vector<1x512x1xf32> to vector<1xf32>
    %reduce_sum3A_84 = vector.shape_cast %reduce_sum3A_83 : vector<1xf32> to vector<1x1x1xf32>
    %reduce_sum3A_85 = vector.extract %reduce_sum3A_84[0, 0, 0] : f32 from vector<1x1x1xf32>
    %add3A_86 = arith.addf %get3A_80, %reduce_sum3A_85 : f32
    %swap3A_87 = arith.constant 0 : index
    %swap3A_88 = arith.constant 0 : index
    %swap3A_89 = memref.load %arg17[%swap3A_87, %swap3A_88] : memref<1x1xf32, #tpu.memory_space<smem>>
    memref.store %add3A_86, %arg17[%swap3A_87, %swap3A_88] : memref<1x1xf32, #tpu.memory_space<smem>>
    %get3A_90 = arith.constant 0 : index
    %get3A_91 = arith.constant 0 : index
    %get3A_92 = vector.load %arg3[%get3A_90, %get3A_91] : memref<512x256xf32, #tpu.memory_space<vmem>>, vector<512x256xf32>
    %get3A_93 = arith.constant 0 : index
    %get3A_94 = arith.constant 0 : index
    %get3A_95 = vector.load %arg8[%get3A_93, %get3A_94] : memref<1024x256xf32, #tpu.memory_space<vmem>>, vector<1024x256xf32>
    %dot_general3A_96 = arith.constant dense<0.000000e+00> : vector<512x1024xf32>
    %dot_general3A_97 = tpu.matmul %get3A_92, %get3A_95, %dot_general3A_96 {dimension_numbers = #tpu.dot_dimension_numbers<[1], [1], [0], [0], [0, 0, 1, 0], [], []>, transpose_lhs_hint = false} : vector<512x256xf32>, vector<1024x256xf32>, vector<512x1024xf32> -> vector<512x1024xf32>
    %mul3A_98 = arith.mulf %get3A_92, %get3A_92 : vector<512x256xf32>
    %reduce_sum3A_99 = arith.constant dense<0.000000e+00> : vector<512xf32>
    %reduce_sum3A_100 = vector.multi_reduction <add>, %mul3A_98, %reduce_sum3A_99 [1] : vector<512x256xf32> to vector<512xf32>
    %broadcast_in_dim3A_101 = vector.shape_cast %reduce_sum3A_100 : vector<512xf32> to vector<512x1xf32>
    %mul3A_102 = arith.mulf %get3A_95, %get3A_95 : vector<1024x256xf32>
    %reduce_sum3A_103 = arith.constant dense<0.000000e+00> : vector<1024xf32>
    %reduce_sum3A_104 = vector.multi_reduction <add>, %mul3A_102, %reduce_sum3A_103 [1] : vector<1024x256xf32> to vector<1024xf32>
    %broadcast_in_dim3A_105 = vector.shape_cast %reduce_sum3A_104 : vector<1024xf32> to vector<1x1024xf32>
    %add3A_106 = vector.broadcast %broadcast_in_dim3A_101 : vector<512x1xf32> to vector<512x1024xf32>
    %add3A_107 = vector.broadcast %broadcast_in_dim3A_105 : vector<1x1024xf32> to vector<512x1024xf32>
    %add3A_108 = arith.addf %add3A_106, %add3A_107 : vector<512x1024xf32>
    %mul3A_109 = arith.constant 2.000000e+00 : f32
    %mul3A_110 = vector.broadcast %mul3A_109 : f32 to vector<512x1024xf32>
    %mul3A_111 = arith.mulf %mul3A_110, %dot_general3A_97 : vector<512x1024xf32>
    %sub3A_112 = arith.subf %add3A_108, %mul3A_111 : vector<512x1024xf32>
    %reduce_min3A_113 = arith.constant dense<0x7F800000> : vector<512xf32>
    %reduce_min3A_114 = vector.multi_reduction <minimumf>, %sub3A_112, %reduce_min3A_113 [1] : vector<512x1024xf32> to vector<512xf32>
    %broadcast_in_dim3A_115 = vector.shape_cast %reduce_min3A_114 : vector<512xf32> to vector<512x1xf32>
    %iota3A_116 = tpu.iota {dimensions = array<i32: 1>} : vector<512x1024xi32>
    %convert_element_type3A_117 = arith.sitofp %iota3A_116 : vector<512x1024xi32> to vector<512x1024xf32>
    %eq3A_118 = vector.broadcast %broadcast_in_dim3A_115 : vector<512x1xf32> to vector<512x1024xf32>
    %eq3A_119 = arith.cmpf oeq, %sub3A_112, %eq3A_118 : vector<512x1024xf32>
    %jit3A_120 = arith.constant 1.024000e+03 : f32
    %broadcast_in_dim3A_121 = vector.broadcast %jit3A_120 : f32 to vector<512x1024xf32>
    %select_n3A_122 = arith.select %eq3A_119, %convert_element_type3A_117, %broadcast_in_dim3A_121 : vector<512x1024xi1>, vector<512x1024xf32>
    %reduce_min3A_123 = arith.constant dense<0x7F800000> : vector<512xf32>
    %reduce_min3A_124 = vector.multi_reduction <minimumf>, %select_n3A_122, %reduce_min3A_123 [1] : vector<512x1024xf32> to vector<512xf32>
    %convert_element_type3A_125 = arith.fptosi %reduce_min3A_124 : vector<512xf32> to vector<512xi32>
    %swap3A_126 = arith.constant 0 : index
    %swap3A_127 = vector.load %arg13[%swap3A_126] : memref<512xi32, #tpu.memory_space<vmem>>, vector<512xi32>
    tpu.vector_store %arg13[%swap3A_126], %convert_element_type3A_125 {strides = array<i32>} : memref<512xi32, #tpu.memory_space<vmem>>, vector<512xi32>,
    %get3A_128 = arith.constant 0 : index
    %get3A_129 = arith.constant 0 : index
    %get3A_130 = memref.load %arg18[%get3A_128, %get3A_129] : memref<1x1xf32, #tpu.memory_space<smem>>
    %reduce_sum3A_131 = vector.shape_cast %broadcast_in_dim3A_115 : vector<512x1xf32> to vector<1x512x1xf32>
    %reduce_sum3A_132 = arith.constant dense<0.000000e+00> : vector<1xf32>
    %reduce_sum3A_133 = vector.multi_reduction <add>, %reduce_sum3A_131, %reduce_sum3A_132 [1, 2] : vector<1x512x1xf32> to vector<1xf32>
    %reduce_sum3A_134 = vector.shape_cast %reduce_sum3A_133 : vector<1xf32> to vector<1x1x1xf32>
    %reduce_sum3A_135 = vector.extract %reduce_sum3A_134[0, 0, 0] : f32 from vector<1x1x1xf32>
    %add3A_136 = arith.addf %get3A_130, %reduce_sum3A_135 : f32
    %swap3A_137 = arith.constant 0 : index
    %swap3A_138 = arith.constant 0 : index
    %swap3A_139 = memref.load %arg18[%swap3A_137, %swap3A_138] : memref<1x1xf32, #tpu.memory_space<smem>>
    memref.store %add3A_136, %arg18[%swap3A_137, %swap3A_138] : memref<1x1xf32, #tpu.memory_space<smem>>
    %get3A_140 = arith.constant 0 : index
    %get3A_141 = arith.constant 0 : index
    %get3A_142 = vector.load %arg4[%get3A_140, %get3A_141] : memref<512x256xf32, #tpu.memory_space<vmem>>, vector<512x256xf32>
    %get3A_143 = arith.constant 0 : index
    %get3A_144 = arith.constant 0 : index
    %get3A_145 = vector.load %arg9[%get3A_143, %get3A_144] : memref<1024x256xf32, #tpu.memory_space<vmem>>, vector<1024x256xf32>
    %dot_general3A_146 = arith.constant dense<0.000000e+00> : vector<512x1024xf32>
    %dot_general3A_147 = tpu.matmul %get3A_142, %get3A_145, %dot_general3A_146 {dimension_numbers = #tpu.dot_dimension_numbers<[1], [1], [0], [0], [0, 0, 1, 0], [], []>, transpose_lhs_hint = false} : vector<512x256xf32>, vector<1024x256xf32>, vector<512x1024xf32> -> vector<512x1024xf32>
    %mul3A_148 = arith.mulf %get3A_142, %get3A_142 : vector<512x256xf32>
    %reduce_sum3A_149 = arith.constant dense<0.000000e+00> : vector<512xf32>
    %reduce_sum3A_150 = vector.multi_reduction <add>, %mul3A_148, %reduce_sum3A_149 [1] : vector<512x256xf32> to vector<512xf32>
    %broadcast_in_dim3A_151 = vector.shape_cast %reduce_sum3A_150 : vector<512xf32> to vector<512x1xf32>
    %mul3A_152 = arith.mulf %get3A_145, %get3A_145 : vector<1024x256xf32>
    %reduce_sum3A_153 = arith.constant dense<0.000000e+00> : vector<1024xf32>
    %reduce_sum3A_154 = vector.multi_reduction <add>, %mul3A_152, %reduce_sum3A_153 [1] : vector<1024x256xf32> to vector<1024xf32>
    %broadcast_in_dim3A_155 = vector.shape_cast %reduce_sum3A_154 : vector<1024xf32> to vector<1x1024xf32>
    %add3A_156 = vector.broadcast %broadcast_in_dim3A_151 : vector<512x1xf32> to vector<512x1024xf32>
    %add3A_157 = vector.broadcast %broadcast_in_dim3A_155 : vector<1x1024xf32> to vector<512x1024xf32>
    %add3A_158 = arith.addf %add3A_156, %add3A_157 : vector<512x1024xf32>
    %mul3A_159 = arith.constant 2.000000e+00 : f32
    %mul3A_160 = vector.broadcast %mul3A_159 : f32 to vector<512x1024xf32>
    %mul3A_161 = arith.mulf %mul3A_160, %dot_general3A_147 : vector<512x1024xf32>
    %sub3A_162 = arith.subf %add3A_158, %mul3A_161 : vector<512x1024xf32>
    %reduce_min3A_163 = arith.constant dense<0x7F800000> : vector<512xf32>
    %reduce_min3A_164 = vector.multi_reduction <minimumf>, %sub3A_162, %reduce_min3A_163 [1] : vector<512x1024xf32> to vector<512xf32>
    %broadcast_in_dim3A_165 = vector.shape_cast %reduce_min3A_164 : vector<512xf32> to vector<512x1xf32>
    %iota3A_166 = tpu.iota {dimensions = array<i32: 1>} : vector<512x1024xi32>
    %convert_element_type3A_167 = arith.sitofp %iota3A_166 : vector<512x1024xi32> to vector<512x1024xf32>
    %eq3A_168 = vector.broadcast %broadcast_in_dim3A_165 : vector<512x1xf32> to vector<512x1024xf32>
    %eq3A_169 = arith.cmpf oeq, %sub3A_162, %eq3A_168 : vector<512x1024xf32>
    %jit3A_170 = arith.constant 1.024000e+03 : f32
    %broadcast_in_dim3A_171 = vector.broadcast %jit3A_170 : f32 to vector<512x1024xf32>
    %select_n3A_172 = arith.select %eq3A_169, %convert_element_type3A_167, %broadcast_in_dim3A_171 : vector<512x1024xi1>, vector<512x1024xf32>
    %reduce_min3A_173 = arith.constant dense<0x7F800000> : vector<512xf32>
    %reduce_min3A_174 = vector.multi_reduction <minimumf>, %select_n3A_172, %reduce_min3A_173 [1] : vector<512x1024xf32> to vector<512xf32>
    %convert_element_type3A_175 = arith.fptosi %reduce_min3A_174 : vector<512xf32> to vector<512xi32>
    %swap3A_176 = arith.constant 0 : index
    %swap3A_177 = vector.load %arg14[%swap3A_176] : memref<512xi32, #tpu.memory_space<vmem>>, vector<512xi32>
    tpu.vector_store %arg14[%swap3A_176], %convert_element_type3A_175 {strides = array<i32>} : memref<512xi32, #tpu.memory_space<vmem>>, vector<512xi32>,
    %get3A_178 = arith.constant 0 : index
    %get3A_179 = arith.constant 0 : index
    %get3A_180 = memref.load %arg19[%get3A_178, %get3A_179] : memref<1x1xf32, #tpu.memory_space<smem>>
    %reduce_sum3A_181 = vector.shape_cast %broadcast_in_dim3A_165 : vector<512x1xf32> to vector<1x512x1xf32>
    %reduce_sum3A_182 = arith.constant dense<0.000000e+00> : vector<1xf32>
    %reduce_sum3A_183 = vector.multi_reduction <add>, %reduce_sum3A_181, %reduce_sum3A_182 [1, 2] : vector<1x512x1xf32> to vector<1xf32>
    %reduce_sum3A_184 = vector.shape_cast %reduce_sum3A_183 : vector<1xf32> to vector<1x1x1xf32>
    %reduce_sum3A_185 = vector.extract %reduce_sum3A_184[0, 0, 0] : f32 from vector<1x1x1xf32>
    %add3A_186 = arith.addf %get3A_180, %reduce_sum3A_185 : f32
    %swap3A_187 = arith.constant 0 : index
    %swap3A_188 = arith.constant 0 : index
    %swap3A_189 = memref.load %arg19[%swap3A_187, %swap3A_188] : memref<1x1xf32, #tpu.memory_space<smem>>
    memref.store %add3A_186, %arg19[%swap3A_187, %swap3A_188] : memref<1x1xf32, #tpu.memory_space<smem>>
    %get3A_190 = arith.constant 0 : index
    %get3A_191 = arith.constant 0 : index
    %get3A_192 = vector.load %arg5[%get3A_190, %get3A_191] : memref<512x256xf32, #tpu.memory_space<vmem>>, vector<512x256xf32>
    %get3A_193 = arith.constant 0 : index
    %get3A_194 = arith.constant 0 : index
    %get3A_195 = vector.load %arg10[%get3A_193, %get3A_194] : memref<1024x256xf32, #tpu.memory_space<vmem>>, vector<1024x256xf32>
    %dot_general3A_196 = arith.constant dense<0.000000e+00> : vector<512x1024xf32>
    %dot_general3A_197 = tpu.matmul %get3A_192, %get3A_195, %dot_general3A_196 {dimension_numbers = #tpu.dot_dimension_numbers<[1], [1], [0], [0], [0, 0, 1, 0], [], []>, transpose_lhs_hint = false} : vector<512x256xf32>, vector<1024x256xf32>, vector<512x1024xf32> -> vector<512x1024xf32>
    %mul3A_198 = arith.mulf %get3A_192, %get3A_192 : vector<512x256xf32>
    %reduce_sum3A_199 = arith.constant dense<0.000000e+00> : vector<512xf32>
    %reduce_sum3A_200 = vector.multi_reduction <add>, %mul3A_198, %reduce_sum3A_199 [1] : vector<512x256xf32> to vector<512xf32>
    %broadcast_in_dim3A_201 = vector.shape_cast %reduce_sum3A_200 : vector<512xf32> to vector<512x1xf32>
    %mul3A_202 = arith.mulf %get3A_195, %get3A_195 : vector<1024x256xf32>
    %reduce_sum3A_203 = arith.constant dense<0.000000e+00> : vector<1024xf32>
    %reduce_sum3A_204 = vector.multi_reduction <add>, %mul3A_202, %reduce_sum3A_203 [1] : vector<1024x256xf32> to vector<1024xf32>
    %broadcast_in_dim3A_205 = vector.shape_cast %reduce_sum3A_204 : vector<1024xf32> to vector<1x1024xf32>
    %add3A_206 = vector.broadcast %broadcast_in_dim3A_201 : vector<512x1xf32> to vector<512x1024xf32>
    %add3A_207 = vector.broadcast %broadcast_in_dim3A_205 : vector<1x1024xf32> to vector<512x1024xf32>
    %add3A_208 = arith.addf %add3A_206, %add3A_207 : vector<512x1024xf32>
    %mul3A_209 = arith.constant 2.000000e+00 : f32
    %mul3A_210 = vector.broadcast %mul3A_209 : f32 to vector<512x1024xf32>
    %mul3A_211 = arith.mulf %mul3A_210, %dot_general3A_197 : vector<512x1024xf32>
    %sub3A_212 = arith.subf %add3A_208, %mul3A_211 : vector<512x1024xf32>
    %reduce_min3A_213 = arith.constant dense<0x7F800000> : vector<512xf32>
    %reduce_min3A_214 = vector.multi_reduction <minimumf>, %sub3A_212, %reduce_min3A_213 [1] : vector<512x1024xf32> to vector<512xf32>
    %broadcast_in_dim3A_215 = vector.shape_cast %reduce_min3A_214 : vector<512xf32> to vector<512x1xf32>
    %iota3A_216 = tpu.iota {dimensions = array<i32: 1>} : vector<512x1024xi32>
    %convert_element_type3A_217 = arith.sitofp %iota3A_216 : vector<512x1024xi32> to vector<512x1024xf32>
    %eq3A_218 = vector.broadcast %broadcast_in_dim3A_215 : vector<512x1xf32> to vector<512x1024xf32>
    %eq3A_219 = arith.cmpf oeq, %sub3A_212, %eq3A_218 : vector<512x1024xf32>
    %jit3A_220 = arith.constant 1.024000e+03 : f32
    %broadcast_in_dim3A_221 = vector.broadcast %jit3A_220 : f32 to vector<512x1024xf32>
    %select_n3A_222 = arith.select %eq3A_219, %convert_element_type3A_217, %broadcast_in_dim3A_221 : vector<512x1024xi1>, vector<512x1024xf32>
    %reduce_min3A_223 = arith.constant dense<0x7F800000> : vector<512xf32>
    %reduce_min3A_224 = vector.multi_reduction <minimumf>, %select_n3A_222, %reduce_min3A_223 [1] : vector<512x1024xf32> to vector<512xf32>
    %convert_element_type3A_225 = arith.fptosi %reduce_min3A_224 : vector<512xf32> to vector<512xi32>
    %swap3A_226 = arith.constant 0 : index
    %swap3A_227 = vector.load %arg15[%swap3A_226] : memref<512xi32, #tpu.memory_space<vmem>>, vector<512xi32>
    tpu.vector_store %arg15[%swap3A_226], %convert_element_type3A_225 {strides = array<i32>} : memref<512xi32, #tpu.memory_space<vmem>>, vector<512xi32>,
    %get3A_228 = arith.constant 0 : index
    %get3A_229 = arith.constant 0 : index
    %get3A_230 = memref.load %arg20[%get3A_228, %get3A_229] : memref<1x1xf32, #tpu.memory_space<smem>>
    %reduce_sum3A_231 = vector.shape_cast %broadcast_in_dim3A_215 : vector<512x1xf32> to vector<1x512x1xf32>
    %reduce_sum3A_232 = arith.constant dense<0.000000e+00> : vector<1xf32>
    %reduce_sum3A_233 = vector.multi_reduction <add>, %reduce_sum3A_231, %reduce_sum3A_232 [1, 2] : vector<1x512x1xf32> to vector<1xf32>
    %reduce_sum3A_234 = vector.shape_cast %reduce_sum3A_233 : vector<1xf32> to vector<1x1x1xf32>
    %reduce_sum3A_235 = vector.extract %reduce_sum3A_234[0, 0, 0] : f32 from vector<1x1x1xf32>
    %add3A_236 = arith.addf %get3A_230, %reduce_sum3A_235 : f32
    %swap3A_237 = arith.constant 0 : index
    %swap3A_238 = arith.constant 0 : index
    %swap3A_239 = memref.load %arg20[%swap3A_237, %swap3A_238] : memref<1x1xf32, #tpu.memory_space<smem>>
    memref.store %add3A_236, %arg20[%swap3A_237, %swap3A_238] : memref<1x1xf32, #tpu.memory_space<smem>>
    return
  }
  func.func @transform_0(%arg0: i32) -> (i32, i32) {
    %c0_i32 = arith.constant 0 : i32
    %c0_i32_0 = arith.constant 0 : i32
    return %arg0, %c0_i32 : i32, i32
  }
  func.func @transform_1(%arg0: i32) -> (i32, i32) {
    %c0_i32 = arith.constant 0 : i32
    %c0_i32_0 = arith.constant 0 : i32
    return %arg0, %c0_i32 : i32, i32
  }
  func.func @transform_2(%arg0: i32) -> (i32, i32) {
    %c0_i32 = arith.constant 0 : i32
    %c0_i32_0 = arith.constant 0 : i32
    return %arg0, %c0_i32 : i32, i32
  }
  func.func @transform_3(%arg0: i32) -> (i32, i32) {
    %c0_i32 = arith.constant 0 : i32
    %c0_i32_0 = arith.constant 0 : i32
    return %arg0, %c0_i32 : i32, i32
  }
  func.func @transform_4(%arg0: i32) -> (i32, i32) {
    %c0_i32 = arith.constant 0 : i32
    %c0_i32_0 = arith.constant 0 : i32
    return %arg0, %c0_i32 : i32, i32
  }
  func.func @transform_5(%arg0: i32) -> (i32, i32) {
    %c0_i32 = arith.constant 0 : i32
    %c0_i32_0 = arith.constant 0 : i32
    %c0_i32_1 = arith.constant 0 : i32
    return %c0_i32, %c0_i32_0 : i32, i32
  }
  func.func @transform_6(%arg0: i32) -> (i32, i32) {
    %c0_i32 = arith.constant 0 : i32
    %c0_i32_0 = arith.constant 0 : i32
    %c0_i32_1 = arith.constant 0 : i32
    return %c0_i32, %c0_i32_0 : i32, i32
  }
  func.func @transform_7(%arg0: i32) -> (i32, i32) {
    %c0_i32 = arith.constant 0 : i32
    %c0_i32_0 = arith.constant 0 : i32
    %c0_i32_1 = arith.constant 0 : i32
    return %c0_i32, %c0_i32_0 : i32, i32
  }
  func.func @transform_8(%arg0: i32) -> (i32, i32) {
    %c0_i32 = arith.constant 0 : i32
    %c0_i32_0 = arith.constant 0 : i32
    %c0_i32_1 = arith.constant 0 : i32
    return %c0_i32, %c0_i32_0 : i32, i32
  }
  func.func @transform_9(%arg0: i32) -> (i32, i32) {
    %c0_i32 = arith.constant 0 : i32
    %c0_i32_0 = arith.constant 0 : i32
    %c0_i32_1 = arith.constant 0 : i32
    return %c0_i32, %c0_i32_0 : i32, i32
  }
  func.func @transform_10(%arg0: i32) -> i32 {
    %c0_i32 = arith.constant 0 : i32
    return %arg0 : i32
  }
  func.func @transform_11(%arg0: i32) -> i32 {
    %c0_i32 = arith.constant 0 : i32
    return %arg0 : i32
  }
  func.func @transform_12(%arg0: i32) -> i32 {
    %c0_i32 = arith.constant 0 : i32
    return %arg0 : i32
  }
  func.func @transform_13(%arg0: i32) -> i32 {
    %c0_i32 = arith.constant 0 : i32
    return %arg0 : i32
  }
  func.func @transform_14(%arg0: i32) -> i32 {
    %c0_i32 = arith.constant 0 : i32
    return %arg0 : i32
  }
  func.func @transform_15(%arg0: i32) -> (i32, i32) {
    %c0_i32 = arith.constant 0 : i32
    %c0_i32_0 = arith.constant 0 : i32
    %c0_i32_1 = arith.constant 0 : i32
    return %c0_i32, %c0_i32_0 : i32, i32
  }
  func.func @transform_16(%arg0: i32) -> (i32, i32) {
    %c0_i32 = arith.constant 0 : i32
    %c0_i32_0 = arith.constant 0 : i32
    %c0_i32_1 = arith.constant 0 : i32
    return %c0_i32, %c0_i32_0 : i32, i32
  }
  func.func @transform_17(%arg0: i32) -> (i32, i32) {
    %c0_i32 = arith.constant 0 : i32
    %c0_i32_0 = arith.constant 0 : i32
    %c0_i32_1 = arith.constant 0 : i32
    return %c0_i32, %c0_i32_0 : i32, i32
  }
  func.func @transform_18(%arg0: i32) -> (i32, i32) {
    %c0_i32 = arith.constant 0 : i32
    %c0_i32_0 = arith.constant 0 : i32
    %c0_i32_1 = arith.constant 0 : i32
    return %c0_i32, %c0_i32_0 : i32, i32
  }
  func.func @transform_19(%arg0: i32) -> (i32, i32) {
    %c0_i32 = arith.constant 0 : i32
    %c0_i32_0 = arith.constant 0 : i32
    %c0_i32_1 = arith.constant 0 : i32
    return %c0_i32, %c0_i32_0 : i32, i32
  }
}

module attributes {stable_mosaic.version = 14 : i64} {
  func.func @_vq_tc_body(%arg0: i32, %arg1: memref<512x256xf32, #tpu.memory_space<vmem>>, %arg2: memref<512x256xf32, #tpu.memory_space<vmem>>, %arg3: memref<512x256xf32, #tpu.memory_space<vmem>>, %arg4: memref<512x256xf32, #tpu.memory_space<vmem>>, %arg5: memref<512x256xf32, #tpu.memory_space<vmem>>, %arg6: memref<1024x256xf32, #tpu.memory_space<vmem>>, %arg7: memref<1024x256xf32, #tpu.memory_space<vmem>>, %arg8: memref<1024x256xf32, #tpu.memory_space<vmem>>, %arg9: memref<1024x256xf32, #tpu.memory_space<vmem>>, %arg10: memref<1024x256xf32, #tpu.memory_space<vmem>>, %arg11: memref<512xi32, #tpu.memory_space<vmem>>, %arg12: memref<512xi32, #tpu.memory_space<vmem>>, %arg13: memref<512xi32, #tpu.memory_space<vmem>>, %arg14: memref<512xi32, #tpu.memory_space<vmem>>, %arg15: memref<512xi32, #tpu.memory_space<vmem>>, %arg16: memref<1x1xf32, #tpu.memory_space<smem>>, %arg17: memref<1x1xf32, #tpu.memory_space<smem>>, %arg18: memref<1x1xf32, #tpu.memory_space<smem>>, %arg19: memref<1x1xf32, #tpu.memory_space<smem>>, %arg20: memref<1x1xf32, #tpu.memory_space<smem>>) attributes {dimension_semantics = [#tpu.dimension_semantics<arbitrary>], iteration_bounds = array<i64: 32>, scalar_prefetch = 0 : i64, scratch_operands = 0 : i64, tpu.core_type = #tpu.core_type<tc>, window_params = [{transform_indices = @transform_0, window_bounds = array<i64: 512, 256>}, {transform_indices = @transform_1, window_bounds = array<i64: 512, 256>}, {transform_indices = @transform_2, window_bounds = array<i64: 512, 256>}, {transform_indices = @transform_3, window_bounds = array<i64: 512, 256>}, {transform_indices = @transform_4, window_bounds = array<i64: 512, 256>}, {transform_indices = @transform_5, window_bounds = array<i64: 1024, 256>}, {pipeline_mode = #tpu.pipeline_mode<synchronous>, transform_indices = @transform_6, window_bounds = array<i64: 1024, 256>}, {transform_indices = @transform_7, window_bounds = array<i64: 1024, 256>}, {pipeline_mode = #tpu.pipeline_mode<synchronous>, transform_indices = @transform_8, window_bounds = array<i64: 1024, 256>}, {transform_indices = @transform_9, window_bounds = array<i64: 1024, 256>}, {transform_indices = @transform_10, window_bounds = array<i64: 512>}, {transform_indices = @transform_11, window_bounds = array<i64: 512>}, {transform_indices = @transform_12, window_bounds = array<i64: 512>}, {transform_indices = @transform_13, window_bounds = array<i64: 512>}, {transform_indices = @transform_14, window_bounds = array<i64: 512>}, {transform_indices = @transform_15, window_bounds = array<i64: 1, 1>}, {transform_indices = @transform_16, window_bounds = array<i64: 1, 1>}, {transform_indices = @transform_17, window_bounds = array<i64: 1, 1>}, {transform_indices = @transform_18, window_bounds = array<i64: 1, 1>}, {transform_indices = @transform_19, window_bounds = array<i64: 1, 1>}]} {
    %eq3A = arith.constant 0 : i32
    %eq3A_0 = arith.cmpi eq, %arg0, %eq3A : i32
    %convert_element_type3A = arith.extui %eq3A_0 : i1 to i32
    %cond3A = arith.constant 0 : i32
    %cond3A_1 = arith.cmpi ne, %convert_element_type3A, %cond3A : i32
    scf.if %cond3A_1 {
      %swap3A_240 = arith.constant 0.000000e+00 : f32
      %swap3A_241 = arith.constant 0 : index
      %swap3A_242 = arith.constant 0 : index
      %swap3A_243 = memref.load %arg16[%swap3A_241, %swap3A_242] : memref<1x1xf32, #tpu.memory_space<smem>>
      memref.store %swap3A_240, %arg16[%swap3A_241, %swap3A_242] : memref<1x1xf32, #tpu.memory_space<smem>>
      %swap3A_244 = arith.constant 0.000000e+00 : f32
      %swap3A_245 = arith.constant 0 : index
      %swap3A_246 = arith.constant 0 : index
      %swap3A_247 = memref.load %arg17[%swap3A_245, %swap3A_246] : memref<1x1xf32, #tpu.memory_space<smem>>
      memref.store %swap3A_244, %arg17[%swap3A_245, %swap3A_246] : memref<1x1xf32, #tpu.memory_space<smem>>
      %swap3A_248 = arith.constant 0.000000e+00 : f32
      %swap3A_249 = arith.constant 0 : index
      %swap3A_250 = arith.constant 0 : index
      %swap3A_251 = memref.load %arg18[%swap3A_249, %swap3A_250] : memref<1x1xf32, #tpu.memory_space<smem>>
      memref.store %swap3A_248, %arg18[%swap3A_249, %swap3A_250] : memref<1x1xf32, #tpu.memory_space<smem>>
      %swap3A_252 = arith.constant 0.000000e+00 : f32
      %swap3A_253 = arith.constant 0 : index
      %swap3A_254 = arith.constant 0 : index
      %swap3A_255 = memref.load %arg19[%swap3A_253, %swap3A_254] : memref<1x1xf32, #tpu.memory_space<smem>>
      memref.store %swap3A_252, %arg19[%swap3A_253, %swap3A_254] : memref<1x1xf32, #tpu.memory_space<smem>>
      %swap3A_256 = arith.constant 0.000000e+00 : f32
      %swap3A_257 = arith.constant 0 : index
      %swap3A_258 = arith.constant 0 : index
      %swap3A_259 = memref.load %arg20[%swap3A_257, %swap3A_258] : memref<1x1xf32, #tpu.memory_space<smem>>
      memref.store %swap3A_256, %arg20[%swap3A_257, %swap3A_258] : memref<1x1xf32, #tpu.memory_space<smem>>
    } else {
    }
    %get3A = arith.constant 0 : index
    %get3A_2 = arith.constant 0 : index
    %get3A_3 = vector.load %arg1[%get3A, %get3A_2] : memref<512x256xf32, #tpu.memory_space<vmem>>, vector<512x256xf32>
    %get3A_4 = arith.constant 0 : index
    %get3A_5 = arith.constant 0 : index
    %get3A_6 = vector.load %arg6[%get3A_4, %get3A_5] : memref<1024x256xf32, #tpu.memory_space<vmem>>, vector<1024x256xf32>
    %dot_general3A = arith.constant dense<0.000000e+00> : vector<512x1024xf32>
    %dot_general3A_7 = tpu.matmul %get3A_3, %get3A_6, %dot_general3A {dimension_numbers = #tpu.dot_dimension_numbers<[1], [1], [0], [0], [0, 0, 1, 0], [], []>, transpose_lhs_hint = false} : vector<512x256xf32>, vector<1024x256xf32>, vector<512x1024xf32> -> vector<512x1024xf32>
    %mul3A = arith.mulf %get3A_3, %get3A_3 : vector<512x256xf32>
    %reduce_sum3A = arith.constant dense<0.000000e+00> : vector<512xf32>
    %reduce_sum3A_8 = vector.multi_reduction <add>, %mul3A, %reduce_sum3A [1] : vector<512x256xf32> to vector<512xf32>
    %broadcast_in_dim3A = vector.shape_cast %reduce_sum3A_8 : vector<512xf32> to vector<512x1xf32>
    %mul3A_9 = arith.mulf %get3A_6, %get3A_6 : vector<1024x256xf32>
    %reduce_sum3A_10 = arith.constant dense<0.000000e+00> : vector<1024xf32>
    %reduce_sum3A_11 = vector.multi_reduction <add>, %mul3A_9, %reduce_sum3A_10 [1] : vector<1024x256xf32> to vector<1024xf32>
    %broadcast_in_dim3A_12 = vector.shape_cast %reduce_sum3A_11 : vector<1024xf32> to vector<1x1024xf32>
    %add3A = vector.broadcast %broadcast_in_dim3A : vector<512x1xf32> to vector<512x1024xf32>
    %add3A_13 = vector.broadcast %broadcast_in_dim3A_12 : vector<1x1024xf32> to vector<512x1024xf32>
    %add3A_14 = arith.addf %add3A, %add3A_13 : vector<512x1024xf32>
    %mul3A_15 = arith.constant 2.000000e+00 : f32
    %mul3A_16 = vector.broadcast %mul3A_15 : f32 to vector<512x1024xf32>
    %mul3A_17 = arith.mulf %mul3A_16, %dot_general3A_7 : vector<512x1024xf32>
    %sub3A = arith.subf %add3A_14, %mul3A_17 : vector<512x1024xf32>
    %reduce_min3A = arith.constant dense<0x7F800000> : vector<512xf32>
    %reduce_min3A_18 = vector.multi_reduction <minimumf>, %sub3A, %reduce_min3A [1] : vector<512x1024xf32> to vector<512xf32>
    %broadcast_in_dim3A_19 = vector.shape_cast %reduce_min3A_18 : vector<512xf32> to vector<512x1xf32>
    %iota3A = tpu.iota {dimensions = array<i32: 1>} : vector<512x1024xi32>
    %convert_element_type3A_20 = arith.sitofp %iota3A : vector<512x1024xi32> to vector<512x1024xf32>
    %eq3A_21 = vector.broadcast %broadcast_in_dim3A_19 : vector<512x1xf32> to vector<512x1024xf32>
    %eq3A_22 = arith.cmpf oeq, %sub3A, %eq3A_21 : vector<512x1024xf32>
    %jit3A = arith.constant 1.024000e+03 : f32
    %broadcast_in_dim3A_23 = vector.broadcast %jit3A : f32 to vector<512x1024xf32>
    %select_n3A = arith.select %eq3A_22, %convert_element_type3A_20, %broadcast_in_dim3A_23 : vector<512x1024xi1>, vector<512x1024xf32>
    %reduce_min3A_24 = arith.constant dense<0x7F800000> : vector<512xf32>
    %reduce_min3A_25 = vector.multi_reduction <minimumf>, %select_n3A, %reduce_min3A_24 [1] : vector<512x1024xf32> to vector<512xf32>
    %convert_element_type3A_26 = arith.fptosi %reduce_min3A_25 : vector<512xf32> to vector<512xi32>
    %swap3A = arith.constant 0 : index
    %swap3A_27 = vector.load %arg11[%swap3A] : memref<512xi32, #tpu.memory_space<vmem>>, vector<512xi32>
    tpu.vector_store %arg11[%swap3A], %convert_element_type3A_26 {strides = array<i32>} : memref<512xi32, #tpu.memory_space<vmem>>, vector<512xi32>,
    %get3A_28 = arith.constant 0 : index
    %get3A_29 = arith.constant 0 : index
    %get3A_30 = memref.load %arg16[%get3A_28, %get3A_29] : memref<1x1xf32, #tpu.memory_space<smem>>
    %reduce_sum3A_31 = vector.shape_cast %broadcast_in_dim3A_19 : vector<512x1xf32> to vector<1x512x1xf32>
    %reduce_sum3A_32 = arith.constant dense<0.000000e+00> : vector<1xf32>
    %reduce_sum3A_33 = vector.multi_reduction <add>, %reduce_sum3A_31, %reduce_sum3A_32 [1, 2] : vector<1x512x1xf32> to vector<1xf32>
    %reduce_sum3A_34 = vector.shape_cast %reduce_sum3A_33 : vector<1xf32> to vector<1x1x1xf32>
    %reduce_sum3A_35 = vector.extract %reduce_sum3A_34[0, 0, 0] : f32 from vector<1x1x1xf32>
    %add3A_36 = arith.addf %get3A_30, %reduce_sum3A_35 : f32
    %swap3A_37 = arith.constant 0 : index
    %swap3A_38 = arith.constant 0 : index
    %swap3A_39 = memref.load %arg16[%swap3A_37, %swap3A_38] : memref<1x1xf32, #tpu.memory_space<smem>>
    memref.store %add3A_36, %arg16[%swap3A_37, %swap3A_38] : memref<1x1xf32, #tpu.memory_space<smem>>
    %get3A_40 = arith.constant 0 : index
    %get3A_41 = arith.constant 0 : index
    %get3A_42 = vector.load %arg2[%get3A_40, %get3A_41] : memref<512x256xf32, #tpu.memory_space<vmem>>, vector<512x256xf32>
    %get3A_43 = arith.constant 0 : index
    %get3A_44 = arith.constant 0 : index
    %get3A_45 = vector.load %arg7[%get3A_43, %get3A_44] : memref<1024x256xf32, #tpu.memory_space<vmem>>, vector<1024x256xf32>
    %dot_general3A_46 = arith.constant dense<0.000000e+00> : vector<512x1024xf32>
    %dot_general3A_47 = tpu.matmul %get3A_42, %get3A_45, %dot_general3A_46 {dimension_numbers = #tpu.dot_dimension_numbers<[1], [1], [0], [0], [0, 0, 1, 0], [], []>, transpose_lhs_hint = false} : vector<512x256xf32>, vector<1024x256xf32>, vector<512x1024xf32> -> vector<512x1024xf32>
    %mul3A_48 = arith.mulf %get3A_42, %get3A_42 : vector<512x256xf32>
    %reduce_sum3A_49 = arith.constant dense<0.000000e+00> : vector<512xf32>
    %reduce_sum3A_50 = vector.multi_reduction <add>, %mul3A_48, %reduce_sum3A_49 [1] : vector<512x256xf32> to vector<512xf32>
    %broadcast_in_dim3A_51 = vector.shape_cast %reduce_sum3A_50 : vector<512xf32> to vector<512x1xf32>
    %mul3A_52 = arith.mulf %get3A_45, %get3A_45 : vector<1024x256xf32>
    %reduce_sum3A_53 = arith.constant dense<0.000000e+00> : vector<1024xf32>
    %reduce_sum3A_54 = vector.multi_reduction <add>, %mul3A_52, %reduce_sum3A_53 [1] : vector<1024x256xf32> to vector<1024xf32>
    %broadcast_in_dim3A_55 = vector.shape_cast %reduce_sum3A_54 : vector<1024xf32> to vector<1x1024xf32>
    %add3A_56 = vector.broadcast %broadcast_in_dim3A_51 : vector<512x1xf32> to vector<512x1024xf32>
    %add3A_57 = vector.broadcast %broadcast_in_dim3A_55 : vector<1x1024xf32> to vector<512x1024xf32>
    %add3A_58 = arith.addf %add3A_56, %add3A_57 : vector<512x1024xf32>
    %mul3A_59 = arith.constant 2.000000e+00 : f32
    %mul3A_60 = vector.broadcast %mul3A_59 : f32 to vector<512x1024xf32>
    %mul3A_61 = arith.mulf %mul3A_60, %dot_general3A_47 : vector<512x1024xf32>
    %sub3A_62 = arith.subf %add3A_58, %mul3A_61 : vector<512x1024xf32>
    %reduce_min3A_63 = arith.constant dense<0x7F800000> : vector<512xf32>
    %reduce_min3A_64 = vector.multi_reduction <minimumf>, %sub3A_62, %reduce_min3A_63 [1] : vector<512x1024xf32> to vector<512xf32>
    %broadcast_in_dim3A_65 = vector.shape_cast %reduce_min3A_64 : vector<512xf32> to vector<512x1xf32>
    %iota3A_66 = tpu.iota {dimensions = array<i32: 1>} : vector<512x1024xi32>
    %convert_element_type3A_67 = arith.sitofp %iota3A_66 : vector<512x1024xi32> to vector<512x1024xf32>
    %eq3A_68 = vector.broadcast %broadcast_in_dim3A_65 : vector<512x1xf32> to vector<512x1024xf32>
    %eq3A_69 = arith.cmpf oeq, %sub3A_62, %eq3A_68 : vector<512x1024xf32>
    %jit3A_70 = arith.constant 1.024000e+03 : f32
    %broadcast_in_dim3A_71 = vector.broadcast %jit3A_70 : f32 to vector<512x1024xf32>
    %select_n3A_72 = arith.select %eq3A_69, %convert_element_type3A_67, %broadcast_in_dim3A_71 : vector<512x1024xi1>, vector<512x1024xf32>
    %reduce_min3A_73 = arith.constant dense<0x7F800000> : vector<512xf32>
    %reduce_min3A_74 = vector.multi_reduction <minimumf>, %select_n3A_72, %reduce_min3A_73 [1] : vector<512x1024xf32> to vector<512xf32>
    %convert_element_type3A_75 = arith.fptosi %reduce_min3A_74 : vector<512xf32> to vector<512xi32>
    %swap3A_76 = arith.constant 0 : index
    %swap3A_77 = vector.load %arg12[%swap3A_76] : memref<512xi32, #tpu.memory_space<vmem>>, vector<512xi32>
    tpu.vector_store %arg12[%swap3A_76], %convert_element_type3A_75 {strides = array<i32>} : memref<512xi32, #tpu.memory_space<vmem>>, vector<512xi32>,
    %get3A_78 = arith.constant 0 : index
    %get3A_79 = arith.constant 0 : index
    %get3A_80 = memref.load %arg17[%get3A_78, %get3A_79] : memref<1x1xf32, #tpu.memory_space<smem>>
    %reduce_sum3A_81 = vector.shape_cast %broadcast_in_dim3A_65 : vector<512x1xf32> to vector<1x512x1xf32>
    %reduce_sum3A_82 = arith.constant dense<0.000000e+00> : vector<1xf32>
    %reduce_sum3A_83 = vector.multi_reduction <add>, %reduce_sum3A_81, %reduce_sum3A_82 [1, 2] : vector<1x512x1xf32> to vector<1xf32>
    %reduce_sum3A_84 = vector.shape_cast %reduce_sum3A_83 : vector<1xf32> to vector<1x1x1xf32>
    %reduce_sum3A_85 = vector.extract %reduce_sum3A_84[0, 0, 0] : f32 from vector<1x1x1xf32>
    %add3A_86 = arith.addf %get3A_80, %reduce_sum3A_85 : f32
    %swap3A_87 = arith.constant 0 : index
    %swap3A_88 = arith.constant 0 : index
    %swap3A_89 = memref.load %arg17[%swap3A_87, %swap3A_88] : memref<1x1xf32, #tpu.memory_space<smem>>
    memref.store %add3A_86, %arg17[%swap3A_87, %swap3A_88] : memref<1x1xf32, #tpu.memory_space<smem>>
    %get3A_90 = arith.constant 0 : index
    %get3A_91 = arith.constant 0 : index
    %get3A_92 = vector.load %arg3[%get3A_90, %get3A_91] : memref<512x256xf32, #tpu.memory_space<vmem>>, vector<512x256xf32>
    %get3A_93 = arith.constant 0 : index
    %get3A_94 = arith.constant 0 : index
    %get3A_95 = vector.load %arg8[%get3A_93, %get3A_94] : memref<1024x256xf32, #tpu.memory_space<vmem>>, vector<1024x256xf32>
    %dot_general3A_96 = arith.constant dense<0.000000e+00> : vector<512x1024xf32>
    %dot_general3A_97 = tpu.matmul %get3A_92, %get3A_95, %dot_general3A_96 {dimension_numbers = #tpu.dot_dimension_numbers<[1], [1], [0], [0], [0, 0, 1, 0], [], []>, transpose_lhs_hint = false} : vector<512x256xf32>, vector<1024x256xf32>, vector<512x1024xf32> -> vector<512x1024xf32>
    %mul3A_98 = arith.mulf %get3A_92, %get3A_92 : vector<512x256xf32>
    %reduce_sum3A_99 = arith.constant dense<0.000000e+00> : vector<512xf32>
    %reduce_sum3A_100 = vector.multi_reduction <add>, %mul3A_98, %reduce_sum3A_99 [1] : vector<512x256xf32> to vector<512xf32>
    %broadcast_in_dim3A_101 = vector.shape_cast %reduce_sum3A_100 : vector<512xf32> to vector<512x1xf32>
    %mul3A_102 = arith.mulf %get3A_95, %get3A_95 : vector<1024x256xf32>
    %reduce_sum3A_103 = arith.constant dense<0.000000e+00> : vector<1024xf32>
    %reduce_sum3A_104 = vector.multi_reduction <add>, %mul3A_102, %reduce_sum3A_103 [1] : vector<1024x256xf32> to vector<1024xf32>
    %broadcast_in_dim3A_105 = vector.shape_cast %reduce_sum3A_104 : vector<1024xf32> to vector<1x1024xf32>
    %add3A_106 = vector.broadcast %broadcast_in_dim3A_101 : vector<512x1xf32> to vector<512x1024xf32>
    %add3A_107 = vector.broadcast %broadcast_in_dim3A_105 : vector<1x1024xf32> to vector<512x1024xf32>
    %add3A_108 = arith.addf %add3A_106, %add3A_107 : vector<512x1024xf32>
    %mul3A_109 = arith.constant 2.000000e+00 : f32
    %mul3A_110 = vector.broadcast %mul3A_109 : f32 to vector<512x1024xf32>
    %mul3A_111 = arith.mulf %mul3A_110, %dot_general3A_97 : vector<512x1024xf32>
    %sub3A_112 = arith.subf %add3A_108, %mul3A_111 : vector<512x1024xf32>
    %reduce_min3A_113 = arith.constant dense<0x7F800000> : vector<512xf32>
    %reduce_min3A_114 = vector.multi_reduction <minimumf>, %sub3A_112, %reduce_min3A_113 [1] : vector<512x1024xf32> to vector<512xf32>
    %broadcast_in_dim3A_115 = vector.shape_cast %reduce_min3A_114 : vector<512xf32> to vector<512x1xf32>
    %iota3A_116 = tpu.iota {dimensions = array<i32: 1>} : vector<512x1024xi32>
    %convert_element_type3A_117 = arith.sitofp %iota3A_116 : vector<512x1024xi32> to vector<512x1024xf32>
    %eq3A_118 = vector.broadcast %broadcast_in_dim3A_115 : vector<512x1xf32> to vector<512x1024xf32>
    %eq3A_119 = arith.cmpf oeq, %sub3A_112, %eq3A_118 : vector<512x1024xf32>
    %jit3A_120 = arith.constant 1.024000e+03 : f32
    %broadcast_in_dim3A_121 = vector.broadcast %jit3A_120 : f32 to vector<512x1024xf32>
    %select_n3A_122 = arith.select %eq3A_119, %convert_element_type3A_117, %broadcast_in_dim3A_121 : vector<512x1024xi1>, vector<512x1024xf32>
    %reduce_min3A_123 = arith.constant dense<0x7F800000> : vector<512xf32>
    %reduce_min3A_124 = vector.multi_reduction <minimumf>, %select_n3A_122, %reduce_min3A_123 [1] : vector<512x1024xf32> to vector<512xf32>
    %convert_element_type3A_125 = arith.fptosi %reduce_min3A_124 : vector<512xf32> to vector<512xi32>
    %swap3A_126 = arith.constant 0 : index
    %swap3A_127 = vector.load %arg13[%swap3A_126] : memref<512xi32, #tpu.memory_space<vmem>>, vector<512xi32>
    tpu.vector_store %arg13[%swap3A_126], %convert_element_type3A_125 {strides = array<i32>} : memref<512xi32, #tpu.memory_space<vmem>>, vector<512xi32>,
    %get3A_128 = arith.constant 0 : index
    %get3A_129 = arith.constant 0 : index
    %get3A_130 = memref.load %arg18[%get3A_128, %get3A_129] : memref<1x1xf32, #tpu.memory_space<smem>>
    %reduce_sum3A_131 = vector.shape_cast %broadcast_in_dim3A_115 : vector<512x1xf32> to vector<1x512x1xf32>
    %reduce_sum3A_132 = arith.constant dense<0.000000e+00> : vector<1xf32>
    %reduce_sum3A_133 = vector.multi_reduction <add>, %reduce_sum3A_131, %reduce_sum3A_132 [1, 2] : vector<1x512x1xf32> to vector<1xf32>
    %reduce_sum3A_134 = vector.shape_cast %reduce_sum3A_133 : vector<1xf32> to vector<1x1x1xf32>
    %reduce_sum3A_135 = vector.extract %reduce_sum3A_134[0, 0, 0] : f32 from vector<1x1x1xf32>
    %add3A_136 = arith.addf %get3A_130, %reduce_sum3A_135 : f32
    %swap3A_137 = arith.constant 0 : index
    %swap3A_138 = arith.constant 0 : index
    %swap3A_139 = memref.load %arg18[%swap3A_137, %swap3A_138] : memref<1x1xf32, #tpu.memory_space<smem>>
    memref.store %add3A_136, %arg18[%swap3A_137, %swap3A_138] : memref<1x1xf32, #tpu.memory_space<smem>>
    %get3A_140 = arith.constant 0 : index
    %get3A_141 = arith.constant 0 : index
    %get3A_142 = vector.load %arg4[%get3A_140, %get3A_141] : memref<512x256xf32, #tpu.memory_space<vmem>>, vector<512x256xf32>
    %get3A_143 = arith.constant 0 : index
    %get3A_144 = arith.constant 0 : index
    %get3A_145 = vector.load %arg9[%get3A_143, %get3A_144] : memref<1024x256xf32, #tpu.memory_space<vmem>>, vector<1024x256xf32>
    %dot_general3A_146 = arith.constant dense<0.000000e+00> : vector<512x1024xf32>
    %dot_general3A_147 = tpu.matmul %get3A_142, %get3A_145, %dot_general3A_146 {dimension_numbers = #tpu.dot_dimension_numbers<[1], [1], [0], [0], [0, 0, 1, 0], [], []>, transpose_lhs_hint = false} : vector<512x256xf32>, vector<1024x256xf32>, vector<512x1024xf32> -> vector<512x1024xf32>
    %mul3A_148 = arith.mulf %get3A_142, %get3A_142 : vector<512x256xf32>
    %reduce_sum3A_149 = arith.constant dense<0.000000e+00> : vector<512xf32>
    %reduce_sum3A_150 = vector.multi_reduction <add>, %mul3A_148, %reduce_sum3A_149 [1] : vector<512x256xf32> to vector<512xf32>
    %broadcast_in_dim3A_151 = vector.shape_cast %reduce_sum3A_150 : vector<512xf32> to vector<512x1xf32>
    %mul3A_152 = arith.mulf %get3A_145, %get3A_145 : vector<1024x256xf32>
    %reduce_sum3A_153 = arith.constant dense<0.000000e+00> : vector<1024xf32>
    %reduce_sum3A_154 = vector.multi_reduction <add>, %mul3A_152, %reduce_sum3A_153 [1] : vector<1024x256xf32> to vector<1024xf32>
    %broadcast_in_dim3A_155 = vector.shape_cast %reduce_sum3A_154 : vector<1024xf32> to vector<1x1024xf32>
    %add3A_156 = vector.broadcast %broadcast_in_dim3A_151 : vector<512x1xf32> to vector<512x1024xf32>
    %add3A_157 = vector.broadcast %broadcast_in_dim3A_155 : vector<1x1024xf32> to vector<512x1024xf32>
    %add3A_158 = arith.addf %add3A_156, %add3A_157 : vector<512x1024xf32>
    %mul3A_159 = arith.constant 2.000000e+00 : f32
    %mul3A_160 = vector.broadcast %mul3A_159 : f32 to vector<512x1024xf32>
    %mul3A_161 = arith.mulf %mul3A_160, %dot_general3A_147 : vector<512x1024xf32>
    %sub3A_162 = arith.subf %add3A_158, %mul3A_161 : vector<512x1024xf32>
    %reduce_min3A_163 = arith.constant dense<0x7F800000> : vector<512xf32>
    %reduce_min3A_164 = vector.multi_reduction <minimumf>, %sub3A_162, %reduce_min3A_163 [1] : vector<512x1024xf32> to vector<512xf32>
    %broadcast_in_dim3A_165 = vector.shape_cast %reduce_min3A_164 : vector<512xf32> to vector<512x1xf32>
    %iota3A_166 = tpu.iota {dimensions = array<i32: 1>} : vector<512x1024xi32>
    %convert_element_type3A_167 = arith.sitofp %iota3A_166 : vector<512x1024xi32> to vector<512x1024xf32>
    %eq3A_168 = vector.broadcast %broadcast_in_dim3A_165 : vector<512x1xf32> to vector<512x1024xf32>
    %eq3A_169 = arith.cmpf oeq, %sub3A_162, %eq3A_168 : vector<512x1024xf32>
    %jit3A_170 = arith.constant 1.024000e+03 : f32
    %broadcast_in_dim3A_171 = vector.broadcast %jit3A_170 : f32 to vector<512x1024xf32>
    %select_n3A_172 = arith.select %eq3A_169, %convert_element_type3A_167, %broadcast_in_dim3A_171 : vector<512x1024xi1>, vector<512x1024xf32>
    %reduce_min3A_173 = arith.constant dense<0x7F800000> : vector<512xf32>
    %reduce_min3A_174 = vector.multi_reduction <minimumf>, %select_n3A_172, %reduce_min3A_173 [1] : vector<512x1024xf32> to vector<512xf32>
    %convert_element_type3A_175 = arith.fptosi %reduce_min3A_174 : vector<512xf32> to vector<512xi32>
    %swap3A_176 = arith.constant 0 : index
    %swap3A_177 = vector.load %arg14[%swap3A_176] : memref<512xi32, #tpu.memory_space<vmem>>, vector<512xi32>
    tpu.vector_store %arg14[%swap3A_176], %convert_element_type3A_175 {strides = array<i32>} : memref<512xi32, #tpu.memory_space<vmem>>, vector<512xi32>,
    %get3A_178 = arith.constant 0 : index
    %get3A_179 = arith.constant 0 : index
    %get3A_180 = memref.load %arg19[%get3A_178, %get3A_179] : memref<1x1xf32, #tpu.memory_space<smem>>
    %reduce_sum3A_181 = vector.shape_cast %broadcast_in_dim3A_165 : vector<512x1xf32> to vector<1x512x1xf32>
    %reduce_sum3A_182 = arith.constant dense<0.000000e+00> : vector<1xf32>
    %reduce_sum3A_183 = vector.multi_reduction <add>, %reduce_sum3A_181, %reduce_sum3A_182 [1, 2] : vector<1x512x1xf32> to vector<1xf32>
    %reduce_sum3A_184 = vector.shape_cast %reduce_sum3A_183 : vector<1xf32> to vector<1x1x1xf32>
    %reduce_sum3A_185 = vector.extract %reduce_sum3A_184[0, 0, 0] : f32 from vector<1x1x1xf32>
    %add3A_186 = arith.addf %get3A_180, %reduce_sum3A_185 : f32
    %swap3A_187 = arith.constant 0 : index
    %swap3A_188 = arith.constant 0 : index
    %swap3A_189 = memref.load %arg19[%swap3A_187, %swap3A_188] : memref<1x1xf32, #tpu.memory_space<smem>>
    memref.store %add3A_186, %arg19[%swap3A_187, %swap3A_188] : memref<1x1xf32, #tpu.memory_space<smem>>
    %get3A_190 = arith.constant 0 : index
    %get3A_191 = arith.constant 0 : index
    %get3A_192 = vector.load %arg5[%get3A_190, %get3A_191] : memref<512x256xf32, #tpu.memory_space<vmem>>, vector<512x256xf32>
    %get3A_193 = arith.constant 0 : index
    %get3A_194 = arith.constant 0 : index
    %get3A_195 = vector.load %arg10[%get3A_193, %get3A_194] : memref<1024x256xf32, #tpu.memory_space<vmem>>, vector<1024x256xf32>
    %dot_general3A_196 = arith.constant dense<0.000000e+00> : vector<512x1024xf32>
    %dot_general3A_197 = tpu.matmul %get3A_192, %get3A_195, %dot_general3A_196 {dimension_numbers = #tpu.dot_dimension_numbers<[1], [1], [0], [0], [0, 0, 1, 0], [], []>, transpose_lhs_hint = false} : vector<512x256xf32>, vector<1024x256xf32>, vector<512x1024xf32> -> vector<512x1024xf32>
    %mul3A_198 = arith.mulf %get3A_192, %get3A_192 : vector<512x256xf32>
    %reduce_sum3A_199 = arith.constant dense<0.000000e+00> : vector<512xf32>
    %reduce_sum3A_200 = vector.multi_reduction <add>, %mul3A_198, %reduce_sum3A_199 [1] : vector<512x256xf32> to vector<512xf32>
    %broadcast_in_dim3A_201 = vector.shape_cast %reduce_sum3A_200 : vector<512xf32> to vector<512x1xf32>
    %mul3A_202 = arith.mulf %get3A_195, %get3A_195 : vector<1024x256xf32>
    %reduce_sum3A_203 = arith.constant dense<0.000000e+00> : vector<1024xf32>
    %reduce_sum3A_204 = vector.multi_reduction <add>, %mul3A_202, %reduce_sum3A_203 [1] : vector<1024x256xf32> to vector<1024xf32>
    %broadcast_in_dim3A_205 = vector.shape_cast %reduce_sum3A_204 : vector<1024xf32> to vector<1x1024xf32>
    %add3A_206 = vector.broadcast %broadcast_in_dim3A_201 : vector<512x1xf32> to vector<512x1024xf32>
    %add3A_207 = vector.broadcast %broadcast_in_dim3A_205 : vector<1x1024xf32> to vector<512x1024xf32>
    %add3A_208 = arith.addf %add3A_206, %add3A_207 : vector<512x1024xf32>
    %mul3A_209 = arith.constant 2.000000e+00 : f32
    %mul3A_210 = vector.broadcast %mul3A_209 : f32 to vector<512x1024xf32>
    %mul3A_211 = arith.mulf %mul3A_210, %dot_general3A_197 : vector<512x1024xf32>
    %sub3A_212 = arith.subf %add3A_208, %mul3A_211 : vector<512x1024xf32>
    %reduce_min3A_213 = arith.constant dense<0x7F800000> : vector<512xf32>
    %reduce_min3A_214 = vector.multi_reduction <minimumf>, %sub3A_212, %reduce_min3A_213 [1] : vector<512x1024xf32> to vector<512xf32>
    %broadcast_in_dim3A_215 = vector.shape_cast %reduce_min3A_214 : vector<512xf32> to vector<512x1xf32>
    %iota3A_216 = tpu.iota {dimensions = array<i32: 1>} : vector<512x1024xi32>
    %convert_element_type3A_217 = arith.sitofp %iota3A_216 : vector<512x1024xi32> to vector<512x1024xf32>
    %eq3A_218 = vector.broadcast %broadcast_in_dim3A_215 : vector<512x1xf32> to vector<512x1024xf32>
    %eq3A_219 = arith.cmpf oeq, %sub3A_212, %eq3A_218 : vector<512x1024xf32>
    %jit3A_220 = arith.constant 1.024000e+03 : f32
    %broadcast_in_dim3A_221 = vector.broadcast %jit3A_220 : f32 to vector<512x1024xf32>
    %select_n3A_222 = arith.select %eq3A_219, %convert_element_type3A_217, %broadcast_in_dim3A_221 : vector<512x1024xi1>, vector<512x1024xf32>
    %reduce_min3A_223 = arith.constant dense<0x7F800000> : vector<512xf32>
    %reduce_min3A_224 = vector.multi_reduction <minimumf>, %select_n3A_222, %reduce_min3A_223 [1] : vector<512x1024xf32> to vector<512xf32>
    %convert_element_type3A_225 = arith.fptosi %reduce_min3A_224 : vector<512xf32> to vector<512xi32>
    %swap3A_226 = arith.constant 0 : index
    %swap3A_227 = vector.load %arg15[%swap3A_226] : memref<512xi32, #tpu.memory_space<vmem>>, vector<512xi32>
    tpu.vector_store %arg15[%swap3A_226], %convert_element_type3A_225 {strides = array<i32>} : memref<512xi32, #tpu.memory_space<vmem>>, vector<512xi32>,
    %get3A_228 = arith.constant 0 : index
    %get3A_229 = arith.constant 0 : index
    %get3A_230 = memref.load %arg20[%get3A_228, %get3A_229] : memref<1x1xf32, #tpu.memory_space<smem>>
    %reduce_sum3A_231 = vector.shape_cast %broadcast_in_dim3A_215 : vector<512x1xf32> to vector<1x512x1xf32>
    %reduce_sum3A_232 = arith.constant dense<0.000000e+00> : vector<1xf32>
    %reduce_sum3A_233 = vector.multi_reduction <add>, %reduce_sum3A_231, %reduce_sum3A_232 [1, 2] : vector<1x512x1xf32> to vector<1xf32>
    %reduce_sum3A_234 = vector.shape_cast %reduce_sum3A_233 : vector<1xf32> to vector<1x1x1xf32>
    %reduce_sum3A_235 = vector.extract %reduce_sum3A_234[0, 0, 0] : f32 from vector<1x1x1xf32>
    %add3A_236 = arith.addf %get3A_230, %reduce_sum3A_235 : f32
    %swap3A_237 = arith.constant 0 : index
    %swap3A_238 = arith.constant 0 : index
    %swap3A_239 = memref.load %arg20[%swap3A_237, %swap3A_238] : memref<1x1xf32, #tpu.memory_space<smem>>
    memref.store %add3A_236, %arg20[%swap3A_237, %swap3A_238] : memref<1x1xf32, #tpu.memory_space<smem>>
    return
  }
  func.func @transform_0(%arg0: i32) -> (i32, i32) {
    %c0_i32 = arith.constant 0 : i32
    %c0_i32_0 = arith.constant 0 : i32
    return %arg0, %c0_i32 : i32, i32
  }
  func.func @transform_1(%arg0: i32) -> (i32, i32) {
    %c0_i32 = arith.constant 0 : i32
    %c0_i32_0 = arith.constant 0 : i32
    return %arg0, %c0_i32 : i32, i32
  }
  func.func @transform_2(%arg0: i32) -> (i32, i32) {
    %c0_i32 = arith.constant 0 : i32
    %c0_i32_0 = arith.constant 0 : i32
    return %arg0, %c0_i32 : i32, i32
  }
  func.func @transform_3(%arg0: i32) -> (i32, i32) {
    %c0_i32 = arith.constant 0 : i32
    %c0_i32_0 = arith.constant 0 : i32
    return %arg0, %c0_i32 : i32, i32
  }
  func.func @transform_4(%arg0: i32) -> (i32, i32) {
    %c0_i32 = arith.constant 0 : i32
    %c0_i32_0 = arith.constant 0 : i32
    return %arg0, %c0_i32 : i32, i32
  }
  func.func @transform_5(%arg0: i32) -> (i32, i32) {
    %c0_i32 = arith.constant 0 : i32
    %c0_i32_0 = arith.constant 0 : i32
    %c0_i32_1 = arith.constant 0 : i32
    return %c0_i32, %c0_i32_0 : i32, i32
  }
  func.func @transform_6(%arg0: i32) -> (i32, i32) {
    %c0_i32 = arith.constant 0 : i32
    %c0_i32_0 = arith.constant 0 : i32
    %c0_i32_1 = arith.constant 0 : i32
    return %c0_i32, %c0_i32_0 : i32, i32
  }
  func.func @transform_7(%arg0: i32) -> (i32, i32) {
    %c0_i32 = arith.constant 0 : i32
    %c0_i32_0 = arith.constant 0 : i32
    %c0_i32_1 = arith.constant 0 : i32
    return %c0_i32, %c0_i32_0 : i32, i32
  }
  func.func @transform_8(%arg0: i32) -> (i32, i32) {
    %c0_i32 = arith.constant 0 : i32
    %c0_i32_0 = arith.constant 0 : i32
    %c0_i32_1 = arith.constant 0 : i32
    return %c0_i32, %c0_i32_0 : i32, i32
  }
  func.func @transform_9(%arg0: i32) -> (i32, i32) {
    %c0_i32 = arith.constant 0 : i32
    %c0_i32_0 = arith.constant 0 : i32
    %c0_i32_1 = arith.constant 0 : i32
    return %c0_i32, %c0_i32_0 : i32, i32
  }
  func.func @transform_10(%arg0: i32) -> i32 {
    %c0_i32 = arith.constant 0 : i32
    return %arg0 : i32
  }
  func.func @transform_11(%arg0: i32) -> i32 {
    %c0_i32 = arith.constant 0 : i32
    return %arg0 : i32
  }
  func.func @transform_12(%arg0: i32) -> i32 {
    %c0_i32 = arith.constant 0 : i32
    return %arg0 : i32
  }
  func.func @transform_13(%arg0: i32) -> i32 {
    %c0_i32 = arith.constant 0 : i32
    return %arg0 : i32
  }
  func.func @transform_14(%arg0: i32) -> i32 {
    %c0_i32 = arith.constant 0 : i32
    return %arg0 : i32
  }
  func.func @transform_15(%arg0: i32) -> (i32, i32) {
    %c0_i32 = arith.constant 0 : i32
    %c0_i32_0 = arith.constant 0 : i32
    %c0_i32_1 = arith.constant 0 : i32
    return %c0_i32, %c0_i32_0 : i32, i32
  }
  func.func @transform_16(%arg0: i32) -> (i32, i32) {
    %c0_i32 = arith.constant 0 : i32
    %c0_i32_0 = arith.constant 0 : i32
    %c0_i32_1 = arith.constant 0 : i32
    return %c0_i32, %c0_i32_0 : i32, i32
  }
  func.func @transform_17(%arg0: i32) -> (i32, i32) {
    %c0_i32 = arith.constant 0 : i32
    %c0_i32_0 = arith.constant 0 : i32
    %c0_i32_1 = arith.constant 0 : i32
    return %c0_i32, %c0_i32_0 : i32, i32
  }
  func.func @transform_18(%arg0: i32) -> (i32, i32) {
    %c0_i32 = arith.constant 0 : i32
    %c0_i32_0 = arith.constant 0 : i32
    %c0_i32_1 = arith.constant 0 : i32
    return %c0_i32, %c0_i32_0 : i32, i32
  }
  func.func @transform_19(%arg0: i32) -> (i32, i32) {
    %c0_i32 = arith.constant 0 : i32
    %c0_i32_0 = arith.constant 0 : i32
    %c0_i32_1 = arith.constant 0 : i32
    return %c0_i32, %c0_i32_0 : i32, i32
  }
}

</mosaic_0001>

<sc_bundles>
// kernel: kernel.5.cloned.1.call-start
scs
__scs_entry_jumppad:
0x0: {  	(pc) =	sbr.rel $0x88, $3  }
0x1: {  	(tag) =	ssettag $0x0;
	lr =	simm.s32 $0x1  }
0x2: {  	[smem:$0x3F8D] =	sst lr;
	_ =	strace $0xD0000000  }
0x3: {  	_ = 	snop  }
0x4: {  	_ = 	snop  }
0x5: {  	_ = 	snop  }
0x6: {  	_ = 	snop  }
0x7: {  	_ = 	snop  }
__scs_overlays_trampoline_lowered:
0x8: {  	[smem:$0x3F9C] =	sst s0  }
0x9: {  	[smem:$0x3F9D] =	sst s1  }
0xa: {  	[smem:$0x3F9E] =	sst s2  }
0xb: {  	[smem:$0x3F9F] =	sst s3  }
0xc: {  	[smem:$0x3FA0] =	sst s4  }
0xd: {  	[smem:$0x3FA1] =	sst s5  }
0xe: {  	[smem:$0x3FA2] =	sst s6  }
0xf: {  	[smem:$0x3FA3] =	sst s7  }
0x10: {  	[smem:$0x3FA4] =	sst s8  }
0x11: {  	[smem:$0x3FA5] =	sst s9;
	s0 =	simm.s32 @!p0 $0x0  }
0x12: {  	s1 =	sld [smem:$0x3F8B];
	s0 =	simm.s32 @p0 $0x1  }
0x13: {  	[smem:$0x3FA6] =	sst s0;
	s0 =	simm.s32 @!p1 $0x0  }
0x14: {  	s2 =	sld [smem:$0x3F8A];
	s0 =	simm.s32 @p1 $0x1  }
0x15: {  	[smem:$0x3FA7] =	sst s0;
	s0 =	simm.s32 @!p2 $0x0  }
0x16: {  	s3 =	sld [smem:$0x3FDB];
	s0 =	simm.s32 @p2 $0x1  }
0x17: {  	s4 =	simm.s32 $0x1BF5;
	[smem:$0x3FA9] =	sst s0  }
0x18: {  	s0 =	sld [smem:$0x3F8C];
	_ =	swait.ge [sflag:s4], $0x0  }
0x19: {  	s7 =	sld [smem:$0x3F8D]  }
0x1a: {  	s8 =	sadd.s32 $0xFFFFE003, lr  }
0x1b: {  	s9 =	sadd.s32 $0xFFFFFEF7, lr;
	s5 =	simm.s32 $0xFFFFFFFF;
	p2 =	slt.u32 s8, $0xFFFFF086  }
0x1c: {  	p1 =	slt.u32 s9, $0xF7A;
	s5 =	simm.s32 @!p2 $0x0  }
0x1d: {  	s5 =	simm.s32 @p1 $0x1;
	p0 =	seq.s32 s7, s2  }
0x1e: {  	s7 =	smul.u32 @!p0 $0xF7A, s2;
	p2 =	seq.s32 @!p0 s5, $0x0  }
0x1f: {  	s9 =	smul.u32 $0xF7A, s1;
	s8 =	simm.s32 @!p0 $0x1BF5;
	p2 =	por !p2, p0  }
0x20: {  	[sflag:s8] =	ssyncset.s32 @!p0 $0xFFFFF086;
	s6 =	sadd.s32 @!p0 s3, s7;
	s7 =	simm.s32 @!p0 $0x108  }
0x21: {  	s3 =	sadd.s32 s3, s9;
	s6 =	sadd.s32 @!p0 $0x88, s6;
	s7 =	simm.s32 @p2 $0x1082  }
0x22: {  	[simem:s7], [sflag:s8] =	dma.local @!p0 [hbm:s6], $0xF7A  }
0x23: {  	s9 =	sor.u32 $0xD0000000, s2;
	s6 =	simm.s32 $0x108;
	_ =	swait.ge @!p0 [sflag:s8], $0x0  }
0x24: {  	s3 =	sadd.s32 $0x88, s3;
	s6 =	simm.s32 @!p1 $0x1082;
	[sflag:s4] =	ssyncset.s32 $0xFFFFF086  }
0x25: {  	[simem:s6], [sflag:s4] =	dma.local [hbm:s3], $0xF7A  }
0x26: {  	[smem:$0x3F8D] =	sst s1;
	(tag) =	ssettag s2;
	_ =	strace s9  }
0x27: {  	s1 =	sld [smem:$0x3F9D]  }
0x28: {  	s2 =	sld [smem:$0x3F9E]  }
0x29: {  	s4 =	sld [smem:$0x3FA0]  }
0x2a: {  	p0 =	seq.s32 s5, $0x0;
	s5 =	sld [smem:$0x3FA1]  }
0x2b: {  	s6 =	sld [smem:$0x3FA2]  }
0x2c: {  	s7 =	sld [smem:$0x3FA3]  }
0x2d: {  	s3 =	simm.s32 $0x108;
	s8 =	sld [smem:$0x3FA4]  }
0x2e: {  	s3 =	simm.s32 @!p0 $0x1082;
	s9 =	sld [smem:$0x3FA5]  }
0x2f: {  	lr =	sadd.s32 s0, s3;
	s0 =	sld [smem:$0x3F9C]  }
0x30: {  	s3 =	sld [smem:$0x3F9F]  }
0x31: {  	[smem:$0x3FA8] =	sst s10  }
0x32: {  	s10 =	sld [smem:$0x3FA6];
	_ =	sdelay $0x3  }
0x33: {  	p0 =	seq.s32 s10, $0x1;
	s10 =	sld [smem:$0x3FA8];
	_ =	sdelay $0x3  }
0x34: {  	[smem:$0x3FA8] =	sst s10  }
0x35: {  	s10 =	sld [smem:$0x3FA7];
	_ =	sdelay $0x3  }
0x36: {  	p1 =	seq.s32 s10, $0x1;
	s10 =	sld [smem:$0x3FA8];
	_ =	sdelay $0x3  }
0x37: {  	[smem:$0x3FA8] =	sst s10  }
0x38: {  	s10 =	sld [smem:$0x3FA9]  }
0x39: {  	_ = 	snop;
	(pc) =	sbr.ind lr, $3  }
0x3a: {  	_ = 	snop  }
0x3b: {  	_ = 	snop  }
0x3c: {  	p2 =	seq.s32 s10, $0x1;
	s10 =	sld [smem:$0x3FA8]  }
0x3d: {  	_ =	shalt  }
0x3e: {  	_ =	shalt  }
0x3f: {  	_ =	shalt  }
0x40: {  	_ =	shalt  }
0x41: {  	_ =	shalt  }
0x42: {  	_ =	shalt  }
0x43: {  	_ =	shalt  }
0x44: {  	_ =	shalt  }
0x45: {  	_ =	shalt  }
0x46: {  	_ =	shalt  }
0x47: {  	_ =	shalt  }
0x48: {  	_ =	shalt  }
0x49: {  	_ =	shalt  }
0x4a: {  	_ =	shalt  }
0x4b: {  	_ =	shalt  }
0x4c: {  	_ =	shalt  }
0x4d: {  	_ =	shalt  }
0x4e: {  	_ =	shalt  }
0x4f: {  	_ =	shalt  }
0x50: {  	_ =	shalt  }
0x51: {  	_ =	shalt  }
0x52: {  	_ =	shalt  }
0x53: {  	_ =	shalt  }
0x54: {  	_ =	shalt  }
0x55: {  	_ =	shalt  }
0x56: {  	_ =	shalt  }
0x57: {  	_ =	shalt  }
0x58: {  	_ =	shalt  }
0x59: {  	_ =	shalt  }
0x5a: {  	_ =	shalt  }
0x5b: {  	_ =	shalt  }
0x5c: {  	_ =	shalt  }
0x5d: {  	_ =	shalt  }
0x5e: {  	_ =	shalt  }
0x5f: {  	_ =	shalt  }
0x60: {  	_ =	shalt  }
0x61: {  	_ =	shalt  }
0x62: {  	_ =	shalt  }
0x63: {  	_ =	shalt  }
0x64: {  	_ =	shalt  }
0x65: {  	_ =	shalt  }
0x66: {  	_ =	shalt  }
0x67: {  	_ =	shalt  }
0x68: {  	_ =	shalt  }
0x69: {  	_ =	shalt  }
0x6a: {  	_ =	shalt  }
0x6b: {  	_ =	shalt  }
0x6c: {  	_ =	shalt  }
0x6d: {  	_ =	shalt  }
0x6e: {  	_ =	shalt  }
0x6f: {  	_ =	shalt  }
0x70: {  	_ =	shalt  }
0x71: {  	_ =	shalt  }
0x72: {  	_ =	shalt  }
0x73: {  	_ =	shalt  }
0x74: {  	_ =	shalt  }
0x75: {  	_ =	shalt  }
0x76: {  	_ =	shalt  }
0x77: {  	_ =	shalt  }
0x78: {  	_ =	shalt  }
0x79: {  	_ =	shalt  }
0x7a: {  	_ =	shalt  }
0x7b: {  	_ =	shalt  }
0x7c: {  	_ =	shalt  }
0x7d: {  	_ =	shalt  }
0x7e: {  	_ =	shalt  }
0x7f: {  	_ =	shalt  }
0x80: {  	_ =	shalt  }
0x81: {  	_ =	shalt  }
0x82: {  	_ =	shalt  }
0x83: {  	_ =	shalt  }
0x84: {  	_ =	shalt  }
0x85: {  	_ =	shalt  }
0x86: {  	_ =	shalt  }
0x87: {  	_ =	shalt  }
.Lfunc_end0:
.L_simem_size_0:
called_computation_lowered:
.L_overlay_start_0:
0x88: {  	s2 =	sld [smem:$0x3FD9]  }
0x89: {  	s3 =	sld [smem:$0x3FFE];
	_ =	sdelay $0x1  }
0x8a: {  	s1 =	srdreg.scid  }
0x8b: {  	s0 =	sand.u32 $0x1, s1  }
0x8c: {  	s14 =	sshll.u32 s0, $0xA;
	s2 =	sadd.s32 s3, s2  }
0x8d: {  	s2 =	sadd.s32 s2, s14  }
0x8e: {  	[smem:$0x3FB4] =	sst s2  }
0x8f: {  	_ = 	snop  }
0x90: {  	s2 =	sld [smem:$0x3FD0];
	_ =	sdelay $0x2  }
0x91: {  	s15 =	simm.s32 $0xA;
	s4 =	simm.s32 $0x10  }
0x92: {  	[smem:s4], [sflag:s15] =	dma.local [hbm:s2], $0x1  }
0x93: {  	_ =	swait.eq [sflag:s15], $0x1  }
0x94: {  	[sflag:s15] =	ssyncset.done $0x0  }
0x95: {  	[sflag:s15] =	ssyncadd.s32 $0xFFFFFFFF  }
0x96: {  	s16 =	sld [smem:$0x10];
	(tm) =	ssettm $0x1  }
0x97: {  	s17 =	sld [smem:$0x3FFB];
	_ =	sdelay $0x3  }
0x98: {  	_ =	strace s17  }
0x99: {  	s3 =	sld [smem:$0x3FFC];
	_ =	sdelay $0x3  }
0x9a: {  	_ =	strace s3  }
0x9b: {  	s3 =	sld [smem:$0x3FFD];
	_ =	sdelay $0x3  }
0x9c: {  	_ =	strace s3  }
0x9d: {  	_ =	strace $0x8FFFFFFF  }
0x9e: {  	s18 =	sld [smem:$0x3FDB];
	_ =	sdelay $0x1  }
0x9f: {  	s19 =	simm.s32 $_scs_section_size  }
0xa0: {  	s5 =	simm.s32 $_size__tile_overlayer_lowered;
	s6 =	simm.s32 $_tile_overlayer_lowered  }
0xa1: {  	s22 =	simm.s32 $0x1BFF;
	s21 =	sshll.u32 s6, $0x1;
	s3 =	sadd.s32 s19, s18  }
0xa2: {  	s7 =	simm.s32 $0x0;
	s20 =	sshll.u32 s5, $0x1;
	s5 =	sadd.s32 s21, s3  }
0xa3: {  	[timem:s7], [sflag:s22] =	dma.local [hbm:s5], s20  }
0xa4: {  	_ =	swait.ge [sflag:s22], s20  }
0xa5: {  	s4 =	ssub.s32 $0x0, s20;
	[sflag:s22] =	ssyncset.done $0x0  }
0xa6: {  	[sflag:s22] =	ssyncadd.s32 s4;
	_ =	sdelay $0x1  }
0xa7: {  	s23 =	simm.s32 $0x1B8B  }
0xa8: {  	_ =	swait.ge [sflag:s23], $0x1  }
0xa9: {  	[sflag:s23] =	ssyncset.done $0x0  }
0xaa: {  	s25 =	simm.s32 $0x1B8E;
	s24 =	sld [smem:$0x3FFE];
	[sflag:s23] =	ssyncadd.s32 $0xFFFFFFFF  }
0xab: {  	s26 =	simm.s32 $execute0_lowered;
	[smem:$0x3FD2] =	sst s25  }
0xac: {  	s5 =	sshll.u32 s26, $0x1;
	_ =	strace $0x80000046;
	[dreg:$0x1] =	wrdreg $0xFFFFFFFF  }
0xad: {  	s28 =	simm.s32 $_size_execute0_lowered;
	s3 =	sadd.s32 s3, s5;
	[dreg:$0x0] =	wrdreg $0x0  }
0xae: {  	s5 =	sshll.u32 s28, $0x1;
	[dreg:$0x2] =	wrdreg s3  }
0xaf: {  	[dreg:$0x3] =	wrdreg s5  }
0xb0: {  	[dreg:$0x4] =	wrdreg $0xC0  }
0xb1: {  	_ =	task [dreg:s7], $0x5FFFF  }
0xb2: {  	[dreg:$0x1] =	wrdreg $0xFFFFFFFF  }
0xb3: {  	[dreg:$0x0] =	wrdreg $0x60  }
0xb4: {  	[dreg:$0x2] =	wrdreg s24  }
0xb5: {  	[dreg:$0x3] =	wrdreg s16  }
0xb6: {  	[dreg:$0x4] =	wrdreg $0x9  }
0xb7: {  	_ =	task.clear_ibuf [dreg:s7], $0x5FFFF;
	_ =	strace $0x90000046  }
0xb8: {  	s29 =	simm.s32 $0x9;
	_ =	strace $0x80000048  }
0xb9: {  	_ =	swait.ge [sflag:s29], $0x1  }
0xba: {  	[sflag:s29] =	ssyncadd.s32 $0xFFFFFFFF  }
0xbb: {  	_ =	strace $0x90000048  }
0xbc: {  	_ =	sfence  }
0xbd: {  	s30 =	sld [smem:$0x0];
	_ =	sdelay $0x2  }
0xbe: {  	s31 =	sshll.u32 s1, $0xD;
	s1 =	sshrl.u32 s1, $0x2  }
0xbf: {  	s3 =	sand.u32 $0x4000, s31;
	s1 =	sadd.s32 s1, s30  }
0xc0: {  	s0 =	sor.u32 s3, s0;
	s1 =	sshll.u32 s1, $0x11  }
0xc1: {  	s0 =	sor.u32 s1, s0  }
0xc2: {  	s0 =	sadd.s32 $0x8F2B, s0  }
0xc3: {  	[sflag:s0] =	ssyncadd.remote.s32 $0x1  }
0xc4: {  	_ =	sfence.sel $0xFFFF  }
0xc5: {  	[dreg:$0x0] =	wrdreg $0xFFFFFFFF;
	(pc) =	sbr.abs _section_cstart, $3  }
0xc6: {  	[dreg:$0x1] =	wrdreg $0xFFFFFFFF  }
0xc7: {  	_ =	task.clear_ibuf [dreg:s7], $0x2FFFF;
	_ =	strace $0x9FFFFFFF  }
0xc8: {  	(tm) =	ssettm $0x7FFFFFFF  }
0xc9: {  	_ =	shalt  }
tec
execute0_lowered:
.L_overlay_start_1:
0x0: {  	(tag) =	ssettag $0x1  }
0x1: {  	s0 =	rddreg [dreg:$0x0]  }
0x2: {  	s3 =	rddreg [dreg:$0x1];
	s2 =	simm.s32 $0x0  }
0x3: {  	s31 =	simm.s32 $0x900;
	[smem:$0x7FF] =	sst s2  }
0x4: {  	s9 =	simm.s32 $0x1900;
	_ =	strace $0x80000047;
	[dreg:$0x4] =	wrdreg s31  }
0x5: {  	s11 =	simm.s32 $0x2100;
	[dreg:$0x6] =	wrdreg s9  }
0x6: {  	s12 =	simm.s32 $0x2900;
	[dreg:$0x7] =	wrdreg s11  }
0x7: {  	s14 =	simm.s32 $0x3100;
	[dreg:$0x8] =	wrdreg s12  }
0x8: {  	s15 =	simm.s32 $0x3900;
	[dreg:$0x9] =	wrdreg s14  }
0x9: {  	s16 =	simm.s32 $0x4100;
	[dreg:$0xa] =	wrdreg s15  }
0xa: {  	s17 =	simm.s32 $0x4900;
	[dreg:$0xb] =	wrdreg s16  }
0xb: {  	s1 =	srdreg.scid;
	s19 =	simm.s32 $0x5100;
	[dreg:$0xc] =	wrdreg s17  }
0xc: {  	s6 =	stileid.u32;
	s21 =	simm.s32 $0x5900;
	[dreg:$0xd] =	wrdreg s19  }
0xd: {  	s22 =	simm.s32 $0x6100;
	s23 =	simm.s32 $0x6900;
	[dreg:$0xe] =	wrdreg s21  }
0xe: {  	s24 =	simm.s32 $0x7100;
	s25 =	simm.s32 $0x7900;
	[dreg:$0xf] =	wrdreg s22  }
0xf: {  	s26 =	simm.s32 $0x80;
	s28 =	simm.s32 $0x8900;
	[dreg:$0x10] =	wrdreg s23  }
0x10: {  	s29 =	simm.s32 $0x9100;
	s30 =	simm.s32 $0x9900;
	[dreg:$0x11] =	wrdreg s24  }
0x11: {  	s1 =	sand.u32 $0x1, s1;
	s4 =	smul.u32 $0x50000, s6;
	[dreg:$0x12] =	wrdreg s25  }
0x12: {  	s8 =	sadd.s32 $0x2AC200, s0;
	s13 =	smul.u32 $0x2800, s6;
	[dreg:$0x13] =	wrdreg s26  }
0x13: {  	s5 =	smul.u32 $0x28000, s1;
	s7 =	ssub.s32 $0x2, s1;
	[dreg:$0x14] =	wrdreg s28  }
0x14: {  	s1 =	smul.u32 $0x1400, s1;
	s9 =	simm.s32 $0x4;
	[dreg:$0x15] =	wrdreg s29  }
0x15: {  	s11 =	simm.s32 $0x1;
	s12 =	simm.s32 $0x8100;
	[dreg:$0x16] =	wrdreg s30  }
0x16: {  	s31 =	simm.s32 $0xA100;
	s14 =	simm.s32 $0xB100;
	s15 =	simm.s32 $0xB900  }
0x17: {  	s16 =	simm.s32 $0xC100;
	s17 =	simm.s32 $0xC900;
	s19 =	simm.s32 $0xD900  }
0x18: {  	s21 =	simm.s32 $0xE900;
	s22 =	simm.s32 $0xF100;
	s23 =	simm.s32 $0xF900  }
0x19: {  	s24 =	simm.s32 $0x2;
	s25 =	simm.s32 $0x3;
	s26 =	simm.s32 $0x0  }
0x1a: {  	s3 =	sadd.s32 s4, s3;
	s10 =	sshrl.u32 s7, $0x1;
	[dreg:$0x17] =	wrdreg s31  }
0x1b: {  	s3 =	sadd.s32 s5, s3;
	s5 =	simm.s32 $0x1100;
	s4 =	ssub.s32 s7, s10  }
0x1c: {  	s1 =	sadd.s32 s1, s13;
	s10 =	simm.s32 $0x100;
	[dreg:$0x3] =	wrdreg s3  }
0x1d: {  	s13 =	simm.s32 $0xA900;
	s3 =	sadd.s32 $0x3000, s0;
	[dreg:$0x5] =	wrdreg s5  }
0x1e: {  	s4 =	smax.u32 s4, $0x1;
	s18 =	sor.u32 $0x80, s1;
	s7 =	sshrl.u32 s1, $0x4  }
0x1f: {  	v2 =	vlaneseq.u32;
	s1 =	sshrl.u32 s1, $0x3;
	[dreg:$0x18] =	wrdreg s4;
	s20 =	sshrl.u32 s18, $0x4  }
0x20: {  	vm0 =	vmmov $0xffff;
	v1 =	vshrl.u32 v2, $0x3;
	s6 =	sshrl.u32 s18, $0x3;
	s18 =	simm.s32 $0xD100;
	[dreg:$0x19] =	wrdreg s20  }
0x21: {  	v0 =	vand.u32 $0x7, v2;
	v2 =	vor.u32 $0x8, v2;
	v1 =	vmul.u32 $0x8, v1;
	s6 =	sadd.s32 s6, s8;
	s8 =	sadd.s32 s1, s8;
	s20 =	simm.s32 $0xE100  }
.LBB2_1:
0x22: {  	s28 =	smov.u32 s8;
	s29 =	smov.u32 s7  }
0x23: {  	s30 =	smov.u32 s6;
	s31 =	rddreg [dreg:$0x19];
	s1 =	simm.s32 $0x0  }
.LBB2_2:
0x24: {  	[tilespmem:s2], [sflag:$0x4] =	stream.linear.gather [hbm4b:s28+s2], $0x80, $0x38;
	[tilespmem:$0x10100] =	vst v63  }
0x25: {  	_ =	swait.ge [sflag:s9], $0x80  }
0x26: {  	[sflag:s9] =	ssyncset.done $0x0  }
0x27: {  	[sflag:s9] =	ssyncadd.s32 $0xFFFFFF80  }
0x28: {  	v3 =	vld [tilespmem:$0x0]  }
0x29: {  	v4 =	vld [tilespmem:$0x10]  }
0x2a: {  	v5 =	vld [tilespmem:$0x20]  }
0x2b: {  	v6 =	vld [tilespmem:$0x30]  }
0x2c: {  	s0 =	sand.u32 $0x7FFFC00, s29;
	v7 =	vld [tilespmem:$0x40]  }
0x2d: {  	v9 =	vld [tilespmem:$0x50];
	v8 =	vadd.s32 s0, v3  }
0x2e: {  	v10 =	vld [tilespmem:$0x60];
	v4 =	vadd.s32 s0, v4;
	[tilespmem:$0x0] =	vst v8  }
0x2f: {  	v26 =	vld [tilespmem:$0x70];
	v25 =	vadd.s32 s0, v5;
	[tilespmem:$0x10] =	vst v4;
	v8 =	vshll.u32 v8, $0x1  }
0x30: {  	v27 =	vadd.s32 s0, v6;
	v3 =	vand.u32 $0x7, v3;
	[tilespmem:$0x20] =	vst v25;
	v28 =	vand.u32 $0xFFFFFFF0, v8  }
0x31: {  	v29 =	vadd.s32 s0, v7;
	[tilespmem:$0x30] =	vst v27;
	v3 =	vor.u32 v3, v28  }
0x32: {  	v30 =	vadd.s32 s0, v9;
	[tilespmem:$0x40] =	vst v29;
	v6 =	vperm.xlane v3, v0  }
0x33: {  	v31 =	vadd.s32 s0, v10;
	[tilespmem:$0x50] =	vst v30  }
0x34: {  	p0 =	seq.s32 s1, $0x0;
	v32 =	vadd.s32 s0, v26;
	[tilespmem:$0x60] =	vst v31;
	v3 =	vperm.xlane v3, v2;
	v33 =	vadd.s32 v1, v6  }
0x35: {  	s0 =	simm.s32 @!p0 $0x2;
	[tilespmem:$0x70] =	vst v32  }
0x36: {  	_ =	swait.ge @!p0 [sflag:s0], $0x8000;
	v3 =	vadd.s32 v1, v3  }
0x37: {  	[sflag:s0] =	ssyncset.done @!p0 $0x0  }
0x38: {  	[sflag:s0] =	ssyncadd.s32 @!p0 $0xFFFF8000  }
0x39: {  	[tilespmem:s10], [sflag:$0x1] =	stream.indirect_vreg.gather [hbm4b:s3+s2], $0x80, v33, vm0, $0xb8;
	[tilespmem:$0x10100] =	vst v63  }
0x3a: {  	s4 =	rddreg [dreg:$0x4]  }
0x3b: {  	[tilespmem:s4], [sflag:$0x1] =	stream.indirect_vreg.gather [hbm4b:s3+s2], $0x80, v3, vm0, $0xb8;
	[tilespmem:$0x10100] =	vst v63  }
0x3c: {  	v3 =	vld [tilespmem:$0x10];
	_ =	sdelay $0x4  }
0x3d: {  	v34 =	vshll.u32 v3, $0x1  }
0x3e: {  	v3 =	vand.u32 $0x7, v3;
	v4 =	vand.u32 $0xFFFFFFF0, v34  }
0x3f: {  	v3 =	vor.u32 v3, v4  }
0x40: {  	v4 =	vperm.xlane v3, v0;
	_ =	sdelay $0x1  }
0x41: {  	v3 =	vperm.xlane v3, v2;
	v4 =	vadd.s32 v1, v4;
	_ =	sdelay $0x1  }
0x42: {  	v3 =	vadd.s32 v1, v3;
	_ =	sdelay $0x1  }
0x43: {  	s5 =	rddreg [dreg:$0x5]  }
0x44: {  	[tilespmem:s5], [sflag:$0x1] =	stream.indirect_vreg.gather [hbm4b:s3+s2], $0x80, v4, vm0, $0xb8;
	[tilespmem:$0x10100] =	vst v63  }
0x45: {  	s4 =	rddreg [dreg:$0x6]  }
0x46: {  	[tilespmem:s4], [sflag:$0x1] =	stream.indirect_vreg.gather [hbm4b:s3+s2], $0x80, v3, vm0, $0xb8;
	[tilespmem:$0x10100] =	vst v63  }
0x47: {  	v3 =	vld [tilespmem:$0x20];
	_ =	sdelay $0x4  }
0x48: {  	v35 =	vshll.u32 v3, $0x1  }
0x49: {  	v3 =	vand.u32 $0x7, v3;
	v4 =	vand.u32 $0xFFFFFFF0, v35  }
0x4a: {  	v3 =	vor.u32 v3, v4  }
0x4b: {  	v4 =	vperm.xlane v3, v0;
	_ =	sdelay $0x1  }
0x4c: {  	v3 =	vperm.xlane v3, v2;
	v4 =	vadd.s32 v1, v4;
	_ =	sdelay $0x1  }
0x4d: {  	v3 =	vadd.s32 v1, v3;
	_ =	sdelay $0x1  }
0x4e: {  	s4 =	rddreg [dreg:$0x7]  }
0x4f: {  	[tilespmem:s4], [sflag:$0x1] =	stream.indirect_vreg.gather [hbm4b:s3+s2], $0x80, v4, vm0, $0xb8;
	[tilespmem:$0x10100] =	vst v63  }
0x50: {  	s5 =	rddreg [dreg:$0x8]  }
0x51: {  	[tilespmem:s5], [sflag:$0x1] =	stream.indirect_vreg.gather [hbm4b:s3+s2], $0x80, v3, vm0, $0xb8;
	[tilespmem:$0x10100] =	vst v63  }
0x52: {  	v3 =	vld [tilespmem:$0x30];
	_ =	sdelay $0x4  }
0x53: {  	v36 =	vshll.u32 v3, $0x1  }
0x54: {  	v3 =	vand.u32 $0x7, v3;
	v4 =	vand.u32 $0xFFFFFFF0, v36  }
0x55: {  	v3 =	vor.u32 v3, v4  }
0x56: {  	v4 =	vperm.xlane v3, v0;
	_ =	sdelay $0x1  }
0x57: {  	v3 =	vperm.xlane v3, v2;
	v4 =	vadd.s32 v1, v4;
	_ =	sdelay $0x1  }
0x58: {  	v3 =	vadd.s32 v1, v3;
	_ =	sdelay $0x1  }
0x59: {  	s4 =	rddreg [dreg:$0x9]  }
0x5a: {  	[tilespmem:s4], [sflag:$0x1] =	stream.indirect_vreg.gather [hbm4b:s3+s2], $0x80, v4, vm0, $0xb8;
	[tilespmem:$0x10100] =	vst v63  }
0x5b: {  	s5 =	rddreg [dreg:$0xa]  }
0x5c: {  	[tilespmem:s5], [sflag:$0x1] =	stream.indirect_vreg.gather [hbm4b:s3+s2], $0x80, v3, vm0, $0xb8;
	[tilespmem:$0x10100] =	vst v63  }
0x5d: {  	v3 =	vld [tilespmem:$0x40];
	_ =	sdelay $0x4  }
0x5e: {  	v37 =	vshll.u32 v3, $0x1  }
0x5f: {  	v3 =	vand.u32 $0x7, v3;
	v4 =	vand.u32 $0xFFFFFFF0, v37  }
0x60: {  	v3 =	vor.u32 v3, v4  }
0x61: {  	v4 =	vperm.xlane v3, v0;
	_ =	sdelay $0x1  }
0x62: {  	v3 =	vperm.xlane v3, v2;
	v4 =	vadd.s32 v1, v4;
	_ =	sdelay $0x1  }
0x63: {  	v3 =	vadd.s32 v1, v3;
	_ =	sdelay $0x1  }
0x64: {  	s4 =	rddreg [dreg:$0xb]  }
0x65: {  	[tilespmem:s4], [sflag:$0x1] =	stream.indirect_vreg.gather [hbm4b:s3+s2], $0x80, v4, vm0, $0xb8;
	[tilespmem:$0x10100] =	vst v63  }
0x66: {  	s5 =	rddreg [dreg:$0xc]  }
0x67: {  	[tilespmem:s5], [sflag:$0x1] =	stream.indirect_vreg.gather [hbm4b:s3+s2], $0x80, v3, vm0, $0xb8;
	[tilespmem:$0x10100] =	vst v63  }
0x68: {  	v3 =	vld [tilespmem:$0x50];
	_ =	sdelay $0x4  }
0x69: {  	v38 =	vshll.u32 v3, $0x1  }
0x6a: {  	v3 =	vand.u32 $0x7, v3;
	v4 =	vand.u32 $0xFFFFFFF0, v38  }
0x6b: {  	v3 =	vor.u32 v3, v4  }
0x6c: {  	v4 =	vperm.xlane v3, v0;
	_ =	sdelay $0x1  }
0x6d: {  	v3 =	vperm.xlane v3, v2;
	v4 =	vadd.s32 v1, v4;
	_ =	sdelay $0x1  }
0x6e: {  	v3 =	vadd.s32 v1, v3;
	_ =	sdelay $0x1  }
0x6f: {  	s4 =	rddreg [dreg:$0xd]  }
0x70: {  	[tilespmem:s4], [sflag:$0x1] =	stream.indirect_vreg.gather [hbm4b:s3+s2], $0x80, v4, vm0, $0xb8;
	[tilespmem:$0x10100] =	vst v63  }
0x71: {  	s5 =	rddreg [dreg:$0xe]  }
0x72: {  	[tilespmem:s5], [sflag:$0x1] =	stream.indirect_vreg.gather [hbm4b:s3+s2], $0x80, v3, vm0, $0xb8;
	[tilespmem:$0x10100] =	vst v63  }
0x73: {  	v3 =	vld [tilespmem:$0x60];
	_ =	sdelay $0x4  }
0x74: {  	v39 =	vshll.u32 v3, $0x1  }
0x75: {  	v3 =	vand.u32 $0x7, v3;
	v4 =	vand.u32 $0xFFFFFFF0, v39  }
0x76: {  	v3 =	vor.u32 v3, v4  }
0x77: {  	v4 =	vperm.xlane v3, v0;
	_ =	sdelay $0x1  }
0x78: {  	v3 =	vperm.xlane v3, v2;
	v4 =	vadd.s32 v1, v4;
	_ =	sdelay $0x1  }
0x79: {  	v3 =	vadd.s32 v1, v3;
	_ =	sdelay $0x1  }
0x7a: {  	s4 =	rddreg [dreg:$0xf]  }
0x7b: {  	[tilespmem:s4], [sflag:$0x1] =	stream.indirect_vreg.gather [hbm4b:s3+s2], $0x80, v4, vm0, $0xb8;
	[tilespmem:$0x10100] =	vst v63  }
0x7c: {  	s5 =	rddreg [dreg:$0x10]  }
0x7d: {  	[tilespmem:s5], [sflag:$0x1] =	stream.indirect_vreg.gather [hbm4b:s3+s2], $0x80, v3, vm0, $0xb8;
	[tilespmem:$0x10100] =	vst v63  }
0x7e: {  	v3 =	vld [tilespmem:$0x70];
	_ =	sdelay $0x4  }
0x7f: {  	v40 =	vshll.u32 v3, $0x1  }
0x80: {  	v3 =	vand.u32 $0x7, v3;
	v4 =	vand.u32 $0xFFFFFFF0, v40  }
0x81: {  	v3 =	vor.u32 v3, v4  }
0x82: {  	v4 =	vperm.xlane v3, v0;
	_ =	sdelay $0x1  }
0x83: {  	v3 =	vperm.xlane v3, v2;
	v4 =	vadd.s32 v1, v4;
	_ =	sdelay $0x1  }
0x84: {  	v3 =	vadd.s32 v1, v3;
	_ =	sdelay $0x1  }
0x85: {  	s4 =	rddreg [dreg:$0x11]  }
0x86: {  	[tilespmem:s4], [sflag:$0x1] =	stream.indirect_vreg.gather [hbm4b:s3+s2], $0x80, v4, vm0, $0xb8;
	[tilespmem:$0x10100] =	vst v63  }
0x87: {  	s5 =	rddreg [dreg:$0x12]  }
0x88: {  	[tilespmem:s5], [sflag:$0x1] =	stream.indirect_vreg.gather [hbm4b:s3+s2], $0x80, v3, vm0, $0xb8;
	[tilespmem:$0x10100] =	vst v63  }
0x89: {  	_ =	swait.ge [sflag:s11], $0x8000  }
0x8a: {  	s4 =	rddreg [dreg:$0x3];
	[sflag:s11] =	ssyncset.done $0x0  }
0x8b: {  	[sflag:s11] =	ssyncadd.s32 $0xFFFF8000;
	s0 =	sadd.s32 s1, s4  }
0x8c: {  	[hbm4b:s0+s2] =	stream.linear.scatter [tilespmem:s10], [sflag:$0x2], $0x8000, $0x38;
	[tilespmem:$0x10100] =	vst v63  }
0x8d: {  	s5 =	rddreg [dreg:$0x13]  }
0x8e: {  	[tilespmem:s5], [sflag:$0x4] =	stream.linear.gather [hbm4b:s30+s2], $0x80, $0x38;
	[tilespmem:$0x10100] =	vst v63  }
0x8f: {  	_ =	swait.ge [sflag:s9], $0x80  }
0x90: {  	[sflag:s9] =	ssyncset.done $0x0  }
0x91: {  	[sflag:s9] =	ssyncadd.s32 $0xFFFFFF80  }
0x92: {  	v3 =	vld [tilespmem:$0x80]  }
0x93: {  	v41 =	vld [tilespmem:$0x90]  }
0x94: {  	v42 =	vld [tilespmem:$0xA0]  }
0x95: {  	v43 =	vld [tilespmem:$0xB0]  }
0x96: {  	s5 =	sand.u32 $0x7FFFC00, s31;
	v44 =	vld [tilespmem:$0xC0]  }
0x97: {  	v46 =	vld [tilespmem:$0xD0];
	v45 =	vadd.s32 s5, v3  }
0x98: {  	v47 =	vld [tilespmem:$0xE0];
	v4 =	vadd.s32 s5, v41;
	[tilespmem:$0x80] =	vst v45  }
0x99: {  	v49 =	vld [tilespmem:$0xF0];
	v48 =	vadd.s32 s5, v42;
	[tilespmem:$0x90] =	vst v4;
	v8 =	vshll.u32 v45, $0x1  }
0x9a: {  	v50 =	vadd.s32 s5, v43;
	v3 =	vand.u32 $0x7, v3;
	[tilespmem:$0xA0] =	vst v48;
	v51 =	vand.u32 $0xFFFFFFF0, v8  }
0x9b: {  	v52 =	vadd.s32 s5, v44;
	[tilespmem:$0xB0] =	vst v50;
	v3 =	vor.u32 v3, v51  }
0x9c: {  	v53 =	vadd.s32 s5, v46;
	[tilespmem:$0xC0] =	vst v52;
	v6 =	vperm.xlane v3, v0  }
0x9d: {  	v54 =	vadd.s32 s5, v47;
	[tilespmem:$0xD0] =	vst v53  }
0x9e: {  	v55 =	vadd.s32 s5, v49;
	[tilespmem:$0xE0] =	vst v54;
	v3 =	vperm.xlane v3, v2;
	v56 =	vadd.s32 v1, v6  }
0x9f: {  	s4 =	simm.s32 @!p0 $0x3;
	[tilespmem:$0xF0] =	vst v55  }
0xa0: {  	_ =	swait.ge @!p0 [sflag:s4], $0x8000;
	v3 =	vadd.s32 v1, v3  }
0xa1: {  	[sflag:s4] =	ssyncset.done @!p0 $0x0  }
0xa2: {  	[sflag:s4] =	ssyncadd.s32 @!p0 $0xFFFF8000  }
0xa3: {  	[tilespmem:s12], [sflag:$0x1] =	stream.indirect_vreg.gather [hbm4b:s3+s2], $0x80, v56, vm0, $0xb8;
	[tilespmem:$0x10100] =	vst v63  }
0xa4: {  	s5 =	rddreg [dreg:$0x14]  }
0xa5: {  	[tilespmem:s5], [sflag:$0x1] =	stream.indirect_vreg.gather [hbm4b:s3+s2], $0x80, v3, vm0, $0xb8;
	[tilespmem:$0x10100] =	vst v63  }
0xa6: {  	v3 =	vld [tilespmem:$0x90];
	_ =	sdelay $0x4  }
0xa7: {  	v57 =	vshll.u32 v3, $0x1  }
0xa8: {  	v3 =	vand.u32 $0x7, v3;
	v4 =	vand.u32 $0xFFFFFFF0, v57  }
0xa9: {  	v3 =	vor.u32 v3, v4  }
0xaa: {  	v4 =	vperm.xlane v3, v0;
	_ =	sdelay $0x1  }
0xab: {  	v3 =	vperm.xlane v3, v2;
	v4 =	vadd.s32 v1, v4;
	_ =	sdelay $0x1  }
0xac: {  	v3 =	vadd.s32 v1, v3;
	_ =	sdelay $0x1  }
0xad: {  	s4 =	rddreg [dreg:$0x15]  }
0xae: {  	[tilespmem:s4], [sflag:$0x1] =	stream.indirect_vreg.gather [hbm4b:s3+s2], $0x80, v4, vm0, $0xb8;
	[tilespmem:$0x10100] =	vst v63  }
0xaf: {  	s5 =	rddreg [dreg:$0x16]  }
0xb0: {  	[tilespmem:s5], [sflag:$0x1] =	stream.indirect_vreg.gather [hbm4b:s3+s2], $0x80, v3, vm0, $0xb8;
	[tilespmem:$0x10100] =	vst v63  }
0xb1: {  	v3 =	vld [tilespmem:$0xA0];
	_ =	sdelay $0x4  }
0xb2: {  	v58 =	vshll.u32 v3, $0x1  }
0xb3: {  	v3 =	vand.u32 $0x7, v3;
	v4 =	vand.u32 $0xFFFFFFF0, v58  }
0xb4: {  	v3 =	vor.u32 v3, v4  }
0xb5: {  	v4 =	vperm.xlane v3, v0;
	_ =	sdelay $0x1  }
0xb6: {  	v3 =	vperm.xlane v3, v2;
	v4 =	vadd.s32 v1, v4;
	_ =	sdelay $0x1  }
0xb7: {  	v3 =	vadd.s32 v1, v3;
	_ =	sdelay $0x1  }
0xb8: {  	s5 =	rddreg [dreg:$0x17]  }
0xb9: {  	[tilespmem:s5], [sflag:$0x1] =	stream.indirect_vreg.gather [hbm4b:s3+s2], $0x80, v4, vm0, $0xb8;
	[tilespmem:$0x10100] =	vst v63  }
0xba: {  	_ = 	snop  }
0xbb: {  	[tilespmem:s13], [sflag:$0x1] =	stream.indirect_vreg.gather [hbm4b:s3+s2], $0x80, v3, vm0, $0xb8;
	[tilespmem:$0x10100] =	vst v63  }
0xbc: {  	v3 =	vld [tilespmem:$0xB0];
	_ =	sdelay $0x4  }
0xbd: {  	v59 =	vshll.u32 v3, $0x1  }
0xbe: {  	v3 =	vand.u32 $0x7, v3;
	v4 =	vand.u32 $0xFFFFFFF0, v59  }
0xbf: {  	v3 =	vor.u32 v3, v4  }
0xc0: {  	v4 =	vperm.xlane v3, v0;
	_ =	sdelay $0x1  }
0xc1: {  	v3 =	vperm.xlane v3, v2;
	v4 =	vadd.s32 v1, v4;
	_ =	sdelay $0x1  }
0xc2: {  	v3 =	vadd.s32 v1, v3;
	_ =	sdelay $0x2  }
0xc3: {  	[tilespmem:s14], [sflag:$0x1] =	stream.indirect_vreg.gather [hbm4b:s3+s2], $0x80, v4, vm0, $0xb8;
	[tilespmem:$0x10100] =	vst v63  }
0xc4: {  	_ = 	snop  }
0xc5: {  	[tilespmem:s15], [sflag:$0x1] =	stream.indirect_vreg.gather [hbm4b:s3+s2], $0x80, v3, vm0, $0xb8;
	[tilespmem:$0x10100] =	vst v63  }
0xc6: {  	v3 =	vld [tilespmem:$0xC0];
	_ =	sdelay $0x4  }
0xc7: {  	v60 =	vshll.u32 v3, $0x1  }
0xc8: {  	v3 =	vand.u32 $0x7, v3;
	v4 =	vand.u32 $0xFFFFFFF0, v60  }
0xc9: {  	v3 =	vor.u32 v3, v4  }
0xca: {  	v4 =	vperm.xlane v3, v0;
	_ =	sdelay $0x1  }
0xcb: {  	v3 =	vperm.xlane v3, v2;
	v4 =	vadd.s32 v1, v4;
	_ =	sdelay $0x1  }
0xcc: {  	v3 =	vadd.s32 v1, v3;
	_ =	sdelay $0x2  }
0xcd: {  	[tilespmem:s16], [sflag:$0x1] =	stream.indirect_vreg.gather [hbm4b:s3+s2], $0x80, v4, vm0, $0xb8;
	[tilespmem:$0x10100] =	vst v63  }
0xce: {  	_ = 	snop  }
0xcf: {  	[tilespmem:s17], [sflag:$0x1] =	stream.indirect_vreg.gather [hbm4b:s3+s2], $0x80, v3, vm0, $0xb8;
	[tilespmem:$0x10100] =	vst v63  }
0xd0: {  	v3 =	vld [tilespmem:$0xD0];
	_ =	sdelay $0x4  }
0xd1: {  	v61 =	vshll.u32 v3, $0x1  }
0xd2: {  	v3 =	vand.u32 $0x7, v3;
	v4 =	vand.u32 $0xFFFFFFF0, v61  }
0xd3: {  	v3 =	vor.u32 v3, v4  }
0xd4: {  	v4 =	vperm.xlane v3, v0;
	_ =	sdelay $0x1  }
0xd5: {  	v3 =	vperm.xlane v3, v2;
	v4 =	vadd.s32 v1, v4;
	_ =	sdelay $0x1  }
0xd6: {  	v3 =	vadd.s32 v1, v3;
	_ =	sdelay $0x2  }
0xd7: {  	[tilespmem:s18], [sflag:$0x1] =	stream.indirect_vreg.gather [hbm4b:s3+s2], $0x80, v4, vm0, $0xb8;
	[tilespmem:$0x10100] =	vst v63  }
0xd8: {  	_ = 	snop  }
0xd9: {  	[tilespmem:s19], [sflag:$0x1] =	stream.indirect_vreg.gather [hbm4b:s3+s2], $0x80, v3, vm0, $0xb8;
	[tilespmem:$0x10100] =	vst v63  }
0xda: {  	v3 =	vld [tilespmem:$0xE0];
	_ =	sdelay $0x4  }
0xdb: {  	v62 =	vshll.u32 v3, $0x1  }
0xdc: {  	v3 =	vand.u32 $0x7, v3;
	v4 =	vand.u32 $0xFFFFFFF0, v62  }
0xdd: {  	v3 =	vor.u32 v3, v4  }
0xde: {  	v4 =	vperm.xlane v3, v0;
	_ =	sdelay $0x1  }
0xdf: {  	v3 =	vperm.xlane v3, v2;
	v4 =	vadd.s32 v1, v4;
	_ =	sdelay $0x1  }
0xe0: {  	v3 =	vadd.s32 v1, v3;
	_ =	sdelay $0x2  }
0xe1: {  	[tilespmem:s20], [sflag:$0x1] =	stream.indirect_vreg.gather [hbm4b:s3+s2], $0x80, v4, vm0, $0xb8;
	[tilespmem:$0x10100] =	vst v63  }
0xe2: {  	_ = 	snop  }
0xe3: {  	[tilespmem:s21], [sflag:$0x1] =	stream.indirect_vreg.gather [hbm4b:s3+s2], $0x80, v3, vm0, $0xb8;
	[tilespmem:$0x10100] =	vst v63  }
0xe4: {  	v3 =	vld [tilespmem:$0xF0];
	_ =	sdelay $0x4  }
0xe5: {  	v63 =	vshll.u32 v3, $0x1  }
0xe6: {  	v3 =	vand.u32 $0x7, v3;
	v4 =	vand.u32 $0xFFFFFFF0, v63  }
0xe7: {  	v3 =	vor.u32 v3, v4  }
0xe8: {  	v4 =	vperm.xlane v3, v0;
	_ =	sdelay $0x1  }
0xe9: {  	v3 =	vperm.xlane v3, v2;
	v4 =	vadd.s32 v1, v4;
	_ =	sdelay $0x1  }
0xea: {  	v3 =	vadd.s32 v1, v3;
	_ =	sdelay $0x1  }
0xeb: {  	s1 =	sadd.s32 $0x2000, s1  }
0xec: {  	[tilespmem:s22], [sflag:$0x1] =	stream.indirect_vreg.gather [hbm4b:s3+s2], $0x80, v4, vm0, $0xb8;
	[tilespmem:$0x10100] =	vst v63  }
0xed: {  	p0 =	sne.s32 s1, $0x28000  }
0xee: {  	[tilespmem:s23], [sflag:$0x1] =	stream.indirect_vreg.gather [hbm4b:s3+s2], $0x80, v3, vm0, $0xb8;
	[tilespmem:$0x10100] =	vst v63  }
.Ltmp0:
0xef: {  	_ = 	snop;
	(pc) =	sbr.rel @p0 .LBB2_2-.Ltmp0, $4  }
0xf0: {  	s29 =	sadd.s32 $0x10, s29;
	_ =	swait.ge [sflag:s11], $0x8000  }
0xf1: {  	s28 =	sadd.s32 $0x20, s28;
	s0 =	sadd.s32 $0x1000, s0;
	[sflag:s11] =	ssyncset.done $0x0  }
0xf2: {  	s31 =	sadd.s32 $0x10, s31;
	s30 =	sadd.s32 $0x20, s30;
	[sflag:s11] =	ssyncadd.s32 $0xFFFF8000  }
0xf3: {  	[hbm4b:s0+s2] =	stream.linear.scatter [tilespmem:s12], [sflag:$0x3], $0x8000, $0x38;
	[tilespmem:$0x10100] =	vst v63  }
0xf4: {  	_ =	swait.ge [sflag:s24], $0x8000  }
0xf5: {  	[sflag:s24] =	ssyncset.done $0x0  }
0xf6: {  	[sflag:s24] =	ssyncadd.s32 $0xFFFF8000  }
0xf7: {  	_ =	swait.ge [sflag:s25], $0x8000  }
0xf8: {  	s26 =	sadd.s32 $0x1, s26;
	s0 =	rddreg [dreg:$0x18]  }
0xf9: {  	p0 =	sne.s32 s26, s0  }
.Ltmp1:
0xfa: {  	_ = 	snop;
	(pc) =	sbr.rel @p0 .LBB2_1-.Ltmp1, $3  }
0xfb: {  	_ =	sdelay $0x1  }
0xfc: {  	[sflag:s25] =	ssyncset.done $0x0  }
0xfd: {  	[sflag:s25] =	ssyncadd.s32 $0xFFFF8000  }
0xfe: {  	_ =	sfence.sel $0x180000  }
0xff: {  	[bflag:$0x0] =	sbarrier.arrive $0xFFFF  }
0x100: {  	_ =	strace $0x90000047  }
0x101: {  	s0 =	stileid.u32;
	[bflag:$0x2] =	sbarrier.arrive $0xFFFF  }
0x102: {  	p0 =	sne.s32 s0, $0x0;
	s0 =	rddreg [dreg:$0x2]  }
0x103: {  	s0 =	sadd.s32 @!p0 $0x100000, s0  }
0x104: {  	[sflag:s0] =	ssyncadd.tile.s32 @!p0 $0x1;
	_ =	shalt  }
.Lfunc_end2:
_tile_overlayer_lowered:
.L_overlay_start_2:
0x105: {  	(tag) =	ssettag $0x2  }
0x106: {  	s0 =	rddreg [dreg:$0x0];
	s2 =	stileid.u32  }
0x107: {  	s1 =	rddreg [dreg:$0x1];
	p0 =	sne.s32 s2, $0x0  }
0x108: {  	s3 =	rddreg [dreg:$0x2];
	[bflag:$0x3] =	sbarrier.arrive $0xFFFF;
	s2 =	simm.s32 @!p0 $0x1C04  }
0x109: {  	[timem:s3], [sflag:s2] =	dma.local @!p0 [hbm:s0], s1  }
0x10a: {  	s0 =	simm.s32 @!p0 $0x4  }
0x10b: {  	_ =	swait.ge @!p0 [sflag:s0], s1  }
0x10c: {  	s1 =	ssub.s32 @!p0 $0x0, s1;
	[sflag:s0] =	ssyncset.done @!p0 $0x0  }
0x10d: {  	[sflag:s0] =	ssyncadd.s32 @!p0 s1  }
0x10e: {  	[bflag:$0x3] =	sbarrier.arrive $0xFFFF  }
0x10f: {  	_ =	shalt  }

</sc_bundles>
